<compile_context>
chip_gen: v7x
topology: tpu7x:2x2x1
jax: 0.10.2.dev20260603
libtpu: 0.0.44.dev20260713+nightly
codegen_flags: <defaults>
</compile_context>

<pallas_src>
import functools

import jax
import jax.numpy as jnp
from jax import lax
from jax.experimental import pallas as pl
from jax.experimental.pallas import tpu as pltpu
from jax.experimental.pallas import tpu_sc as plsc

_N = 10000
_D = 128
_E = 320000
_G = 64

_NC = 2
_NS = 16
_NW = _NC * _NS
_CHUNK = 128
_CPT = 79
_EPT = _CPT * _CHUNK
_AGG_ROWS = 10240
_ZROWS = _AGG_ROWS // _NS

_BLK = 2000
_NBLK = _N // _BLK


def _make_agg_kernel():
    mesh = plsc.VectorSubcoreMesh(core_axis_name="c", subcore_axis_name="s")

    @functools.partial(
        pl.kernel,
        mesh=mesh,
        out_type=jax.ShapeDtypeStruct((_NC, _AGG_ROWS, _D), jnp.float32),
        scratch_types=[
            pltpu.VMEM((_CPT, _CHUNK), jnp.int32),
            pltpu.VMEM((_CPT, _CHUNK), jnp.int32),
            pltpu.VMEM((_CHUNK, _D), jnp.float32),
            pltpu.VMEM_SHARED((_AGG_ROWS, _D), jnp.float32),
            pltpu.SemaphoreType.DMA,
        ],
    )
    def agg(x_hbm, src_hbm, dst_hbm, zeros_hbm, out_hbm,
            src_v, dst_v, rows_v, acc_sh, sem):
        cid = lax.axis_index("c")
        sid = lax.axis_index("s")
        wid = cid * _NS + sid
        pltpu.sync_copy(zeros_hbm, acc_sh.at[pl.ds(sid * _ZROWS, _ZROWS)])
        pltpu.sync_copy(src_hbm.at[wid], src_v)
        pltpu.sync_copy(dst_hbm.at[wid], dst_v)
        plsc.subcore_barrier()

        def body(c, carry):
            pltpu.async_copy(x_hbm.at[src_v.at[c]], rows_v, sem).wait()
            pltpu.sync_copy(rows_v, acc_sh.at[dst_v.at[c]], add=True)
            return carry

        lax.fori_loop(0, _CPT, body, 0)
        plsc.subcore_barrier()
        pltpu.sync_copy(acc_sh.at[pl.ds(sid * _ZROWS, _ZROWS)],
                        out_hbm.at[cid, pl.ds(sid * _ZROWS, _ZROWS)])

    return agg


def _layer_body(h_ref, a0_ref, a1_ref, wa_ref, ba_ref, wb_ref, bb_ref, o_ref):
    z = h_ref[...] + a0_ref[0] + a1_ref[0]
    t = jnp.maximum(
        jnp.dot(z, wa_ref[...], preferred_element_type=jnp.float32) + ba_ref[...],
        0.0)
    o_ref[...] = jnp.maximum(
        jnp.dot(t, wb_ref[...], preferred_element_type=jnp.float32) + bb_ref[...],
        0.0)


def _layer_call(h, agg, Wa, ba, Wb, bb):
    return pl.pallas_call(
        _layer_body,
        grid=(_NBLK,),
        in_specs=[
            pl.BlockSpec((_BLK, _D), lambda i: (i, 0)),
            pl.BlockSpec((1, _BLK, _D), lambda i: (0, i, 0)),
            pl.BlockSpec((1, _BLK, _D), lambda i: (1, i, 0)),
            pl.BlockSpec((_D, _D), lambda i: (0, 0)),
            pl.BlockSpec((1, _D), lambda i: (0, 0)),
            pl.BlockSpec((_D, _D), lambda i: (0, 0)),
            pl.BlockSpec((1, _D), lambda i: (0, 0)),
        ],
        out_specs=pl.BlockSpec((_BLK, _D), lambda i: (i, 0)),
        out_shape=jax.ShapeDtypeStruct((_N, _D), jnp.float32),
    )(h, agg, agg, Wa, ba, Wb, bb)


def _final_body(h_ref, a0_ref, a1_ref, wa_ref, ba_ref, wb_ref, bb_ref,
                wfc_ref, bfc_ref, batch_ref, o_ref, sums_ref, cnts_ref):
    i = pl.program_id(0)

    @pl.when(i == 0)
    def _():
        sums_ref[...] = jnp.zeros_like(sums_ref)
        cnts_ref[...] = jnp.zeros_like(cnts_ref)

    z = h_ref[...] + a0_ref[0] + a1_ref[0]
    t = jnp.maximum(
        jnp.dot(z, wa_ref[...], preferred_element_type=jnp.float32) + ba_ref[...],
        0.0)
    h3 = jnp.maximum(
        jnp.dot(t, wb_ref[...], preferred_element_type=jnp.float32) + bb_ref[...],
        0.0)
    onehot = (batch_ref[...] ==
              lax.broadcasted_iota(jnp.int32, (1, _G), 1)).astype(jnp.float32)
    sums_ref[...] += lax.dot_general(
        onehot, h3, (((0,), (0,)), ((), ())), preferred_element_type=jnp.float32)
    cnts_ref[...] += lax.dot_general(
        onehot, jnp.ones_like(h3), (((0,), (0,)), ((), ())),
        preferred_element_type=jnp.float32)

    @pl.when(i == _NBLK - 1)
    def _():
        pooled = sums_ref[...] / jnp.maximum(cnts_ref[...], 1.0)
        o_ref[...] = (jnp.dot(pooled, wfc_ref[...],
                              preferred_element_type=jnp.float32) + bfc_ref[...])


def _final_call(h, agg, Wa, ba, Wb, bb, Wfc, bfc, batch2):
    return pl.pallas_call(
        _final_body,
        grid=(_NBLK,),
        in_specs=[
            pl.BlockSpec((_BLK, _D), lambda i: (i, 0)),
            pl.BlockSpec((1, _BLK, _D), lambda i: (0, i, 0)),
            pl.BlockSpec((1, _BLK, _D), lambda i: (1, i, 0)),
            pl.BlockSpec((_D, _D), lambda i: (0, 0)),
            pl.BlockSpec((1, _D), lambda i: (0, 0)),
            pl.BlockSpec((_D, _D), lambda i: (0, 0)),
            pl.BlockSpec((1, _D), lambda i: (0, 0)),
            pl.BlockSpec((_D, _D), lambda i: (0, 0)),
            pl.BlockSpec((1, _D), lambda i: (0, 0)),
            pl.BlockSpec((_BLK, 1), lambda i: (i, 0)),
        ],
        out_specs=pl.BlockSpec((_G, _D), lambda i: (0, 0)),
        out_shape=jax.ShapeDtypeStruct((_G, _D), jnp.float32),
        scratch_shapes=[
            pltpu.VMEM((_G, _D), jnp.float32),
            pltpu.VMEM((_G, _D), jnp.float32),
        ],
    )(h, agg, agg, Wa, ba, Wb, bb, Wfc, bfc, batch2)


def kernel(x, edge_index, batch,
           W1a, b1a, W1b, b1b,
           W2a, b2a, W2b, b2b,
           W3a, b3a, W3b, b3b,
           Wfc, bfc):
    src = edge_index[0].astype(jnp.int32)
    dst = edge_index[1].astype(jnp.int32)
    ppt = _EPT - _E // _NW
    src = jnp.concatenate(
        [src.reshape(_NW, _E // _NW),
         jnp.zeros((_NW, ppt), jnp.int32)], axis=1).reshape(_NW, _CPT, _CHUNK)
    wids = jnp.arange(_NW, dtype=jnp.int32)[:, None]
    trash = _N + (wids * 7 + jnp.arange(ppt, dtype=jnp.int32)[None, :]) % (_AGG_ROWS - _N)
    dst = jnp.concatenate(
        [dst.reshape(_NW, _E // _NW), trash], axis=1).reshape(_NW, _CPT, _CHUNK)
    zeros = jnp.zeros((_ZROWS, _D), jnp.float32)
    batch2 = batch.astype(jnp.int32).reshape(_N, 1)
    b1a2, b1b2 = b1a.reshape(1, _D), b1b.reshape(1, _D)
    b2a2, b2b2 = b2a.reshape(1, _D), b2b.reshape(1, _D)
    b3a2, b3b2 = b3a.reshape(1, _D), b3b.reshape(1, _D)
    bfc2 = bfc.reshape(1, _D)

    agg_fn = _make_agg_kernel()

    a1 = agg_fn(x, src, dst, zeros)
    h1 = _layer_call(x, a1, W1a, b1a2, W1b, b1b2)
    a2 = agg_fn(h1, src, dst, zeros)
    h2 = _layer_call(h1, a2, W2a, b2a2, W2b, b2b2)
    a3 = agg_fn(h2, src, dst, zeros)
    out = _final_call(h2, a3, W3a, b3a2, W3b, b3b2, Wfc, bfc2, batch2)
    return out

# --- scband reference (transcript-rebuilt; emitter-appended) ---
"""Pipeline reference for scband-graph-encoder-gin-74981539053906 (READ-ONLY COPY).

The authoritative reference and input builder live on the scoring server;
editing this copy changes nothing except your own understanding.
"""

import jax, jax.numpy as jnp
import numpy as np

N_NODES = 10000
N_EDGES = 320000
D_IN = 128
H1 = 128
H2 = 128
D_OUT = 128
N_GRAPHS = 64


def _linear_params(key, d_in, d_out):
    k1, k2 = jax.random.split(key)
    # kaiming_normal fan_out for relu: std = sqrt(2 / fan_out)
    W = jax.random.normal(k1, (d_in, d_out), dtype=jnp.float32) * np.sqrt(2.0 / d_out)
    b = jnp.zeros((d_out,), dtype=jnp.float32)
    return W, b


def setup_inputs(seed: int = 0) -> dict:
    key = jax.random.key(seed)
    ks = jax.random.split(key, 12)
    x = jax.random.normal(ks[0], (N_NODES, D_IN), dtype=jnp.float32)
    edge_index = jax.random.randint(ks[1], (2, N_EDGES), 0, N_NODES, dtype=jnp.int64)
    batch = jnp.sort(jax.random.randint(ks[2], (N_NODES,), 0, N_GRAPHS, dtype=jnp.int64))
    W1a, b1a = _linear_params(ks[3], D_IN, H1)
    W1b, b1b = _linear_params(ks[4], H1, H1)
    W2a, b2a = _linear_params(ks[5], H1, H2)
    W2b, b2b = _linear_params(ks[6], H2, H2)
    W3a, b3a = _linear_params(ks[7], H2, H2)
    W3b, b3b = _linear_params(ks[8], H2, H2)
    Wfc, bfc = _linear_params(ks[9], H2, D_OUT)
    return {"x": x, "edge_index": edge_index, "batch": batch,
            "W1a": W1a, "b1a": b1a, "W1b": W1b, "b1b": b1b,
            "W2a": W2a, "b2a": b2a, "W2b": W2b, "b2b": b2b,
            "W3a": W3a, "b3a": b3a, "W3b": W3b, "b3b": b3b,
            "Wfc": Wfc, "bfc": bfc}


def _gin_conv(x, edge_index, Wa, ba, Wb, bb):
    # GINConv with eps=0: nn((1+eps)*x + sum_{j in N(i)} x_j)
    src, dst = edge_index[0], edge_index[1]
    agg = jax.ops.segment_sum(x[src], dst, num_segments=x.shape[0])
    h = x + agg
    h = jnp.maximum(h @ Wa + ba, 0.0)
    h = h @ Wb + bb
    return h


def reference(x, edge_index, batch,
              W1a, b1a, W1b, b1b,
              W2a, b2a, W2b, b2b,
              W3a, b3a, W3b, b3b,
              Wfc, bfc):
    h = jnp.maximum(_gin_conv(x, edge_index, W1a, b1a, W1b, b1b), 0.0)
    h = jnp.maximum(_gin_conv(h, edge_index, W2a, b2a, W2b, b2b), 0.0)
    h = jnp.maximum(_gin_conv(h, edge_index, W3a, b3a, W3b, b3b), 0.0)
    # dropout is identity in eval mode
    sums = jax.ops.segment_sum(h, batch, num_segments=N_GRAPHS)
    counts = jax.ops.segment_sum(jnp.ones((h.shape[0],), dtype=jnp.float32), batch, num_segments=N_GRAPHS)
    pooled = sums / jnp.maximum(counts, 1.0)[:, None]
    out = pooled @ Wfc + bfc
    return out

if __name__ == "__main__":
    import jax
    _d = setup_inputs()
    print(jax.jit(kernel)(*tuple(_d.values())))

</pallas_src>

<mosaic_0001>
#map = affine_map<(d0, d1) -> (0, 0)>
#map1 = affine_map<(d0, d1) -> (0, 0, 0)>
module attributes {stable_mosaic.version = 14 : i64} {
  func.func @agg(%arg0: i32, %arg1: i32, %arg2: memref<10000x128xf32, #tpu.memory_space<hbm>>, %arg3: memref<32x79x128xi32, #tpu.memory_space<hbm>>, %arg4: memref<32x79x128xi32, #tpu.memory_space<hbm>>, %arg5: memref<640x128xf32, #tpu.memory_space<hbm>>, %arg6: memref<2x10240x128xf32, #tpu.memory_space<hbm>>, %arg7: memref<79x128xi32, #tpu.memory_space<vmem>>, %arg8: memref<79x128xi32, #tpu.memory_space<vmem>>, %arg9: memref<128x128xf32, #tpu.memory_space<vmem>>, %arg10: memref<10240x128xf32, #tpu.memory_space<vmem_shared>>, %arg11: memref<!tpu.dma_semaphore, #tpu.memory_space<semaphore_mem>>) attributes {dimension_semantics = [#tpu.dimension_semantics<core_parallel>, #tpu.dimension_semantics<subcore_parallel>], iteration_bounds = array<i64: 2, 16>, scalar_prefetch = 0 : i64, scratch_operands = 5 : i64, tpu.core_type = #tpu.core_type<sc_vector_subcore>, window_params = [{transform_indices = #map}, {transform_indices = #map1}, {transform_indices = #map1}, {transform_indices = #map}, {transform_indices = #map1}]} {
    %mul3A = arith.constant 16 : i32
    %mul3A_0 = arith.muli %arg0, %mul3A : i32
    %add3A = arith.addi %mul3A_0, %arg1 : i32
    %mul3A_1 = arith.constant 640 : i32
    %mul3A_2 = arith.muli %arg1, %mul3A_1 : i32
    "tpu.region"() ({
      %run_scoped3A = tpu.sem_alloc : memref<!tpu.dma_semaphore, #tpu.memory_space<semaphore_mem>>
      %dma_start3A = arith.constant 0 : i32
      %dma_start3A_13 = tpu.memref_slice %arg10[%mul3A_2, %dma_start3A] : memref<10240x128xf32, #tpu.memory_space<vmem_shared>> -> memref<640x128xf32, #tpu.memory_space<vmem_shared>>
      tpu.enqueue_dma source(%arg5 : memref<640x128xf32, #tpu.memory_space<hbm>>) target(%dma_start3A_13 : memref<640x128xf32, #tpu.memory_space<vmem_shared>>) target_semaphore(%run_scoped3A : memref<!tpu.dma_semaphore, #tpu.memory_space<semaphore_mem>>)
      %dma_wait3A = arith.constant 0 : i32
      %dma_wait3A_14 = tpu.memref_slice %arg10[%mul3A_2, %dma_wait3A] : memref<10240x128xf32, #tpu.memory_space<vmem_shared>> -> memref<640x128xf32, #tpu.memory_space<vmem_shared>>
      tpu.wait_dma2 semaphore(%run_scoped3A : memref<!tpu.dma_semaphore, #tpu.memory_space<semaphore_mem>>) src(%arg5 : memref<640x128xf32, #tpu.memory_space<hbm>>) dst(%dma_wait3A_14 : memref<640x128xf32, #tpu.memory_space<vmem_shared>>)
      tpu.yield
    }) : () -> ()
    "tpu.region"() ({
      %run_scoped3A = tpu.sem_alloc : memref<!tpu.dma_semaphore, #tpu.memory_space<semaphore_mem>>
      %dma_start3A = arith.constant 0 : i32
      %dma_start3A_13 = arith.constant 0 : i32
      %dma_start3A_14 = tpu.memref_slice %arg3[%add3A, %dma_start3A, %dma_start3A_13] : memref<32x79x128xi32, #tpu.memory_space<hbm>> -> memref<1x79x128xi32, #tpu.memory_space<hbm>>
      %dma_start3A_15 = tpu.memref_squeeze %dma_start3A_14 : memref<1x79x128xi32, #tpu.memory_space<hbm>> -> memref<79x128xi32, #tpu.memory_space<hbm>>
      %dma_start3A_16 = arith.constant 0 : i32
      %dma_start3A_17 = arith.constant 0 : i32
      %dma_start3A_18 = tpu.memref_slice %arg3[%add3A, %dma_start3A_16, %dma_start3A_17] : memref<32x79x128xi32, #tpu.memory_space<hbm>> -> memref<1x79x128xi32, #tpu.memory_space<hbm>>
      %dma_start3A_19 = tpu.memref_squeeze %dma_start3A_18 : memref<1x79x128xi32, #tpu.memory_space<hbm>> -> memref<79x128xi32, #tpu.memory_space<hbm>>
      tpu.enqueue_dma source(%dma_start3A_19 : memref<79x128xi32, #tpu.memory_space<hbm>>) target(%arg7 : memref<79x128xi32, #tpu.memory_space<vmem>>) target_semaphore(%run_scoped3A : memref<!tpu.dma_semaphore, #tpu.memory_space<semaphore_mem>>)
      %dma_wait3A = arith.constant 0 : i32
      %dma_wait3A_20 = arith.constant 0 : i32
      %dma_wait3A_21 = tpu.memref_slice %arg3[%add3A, %dma_wait3A, %dma_wait3A_20] : memref<32x79x128xi32, #tpu.memory_space<hbm>> -> memref<1x79x128xi32, #tpu.memory_space<hbm>>
      %dma_wait3A_22 = tpu.memref_squeeze %dma_wait3A_21 : memref<1x79x128xi32, #tpu.memory_space<hbm>> -> memref<79x128xi32, #tpu.memory_space<hbm>>
      %dma_wait3A_23 = arith.constant 0 : i32
      %dma_wait3A_24 = arith.constant 0 : i32
      %dma_wait3A_25 = tpu.memref_slice %arg3[%add3A, %dma_wait3A_23, %dma_wait3A_24] : memref<32x79x128xi32, #tpu.memory_space<hbm>> -> memref<1x79x128xi32, #tpu.memory_space<hbm>>
      %dma_wait3A_26 = tpu.memref_squeeze %dma_wait3A_25 : memref<1x79x128xi32, #tpu.memory_space<hbm>> -> memref<79x128xi32, #tpu.memory_space<hbm>>
      tpu.wait_dma2 semaphore(%run_scoped3A : memref<!tpu.dma_semaphore, #tpu.memory_space<semaphore_mem>>) src(%dma_wait3A_26 : memref<79x128xi32, #tpu.memory_space<hbm>>) dst(%arg7 : memref<79x128xi32, #tpu.memory_space<vmem>>)
      tpu.yield
    }) : () -> ()
    "tpu.region"() ({
      %run_scoped3A = tpu.sem_alloc : memref<!tpu.dma_semaphore, #tpu.memory_space<semaphore_mem>>
      %dma_start3A = arith.constant 0 : i32
      %dma_start3A_13 = arith.constant 0 : i32
      %dma_start3A_14 = tpu.memref_slice %arg4[%add3A, %dma_start3A, %dma_start3A_13] : memref<32x79x128xi32, #tpu.memory_space<hbm>> -> memref<1x79x128xi32, #tpu.memory_space<hbm>>
      %dma_start3A_15 = tpu.memref_squeeze %dma_start3A_14 : memref<1x79x128xi32, #tpu.memory_space<hbm>> -> memref<79x128xi32, #tpu.memory_space<hbm>>
      %dma_start3A_16 = arith.constant 0 : i32
      %dma_start3A_17 = arith.constant 0 : i32
      %dma_start3A_18 = tpu.memref_slice %arg4[%add3A, %dma_start3A_16, %dma_start3A_17] : memref<32x79x128xi32, #tpu.memory_space<hbm>> -> memref<1x79x128xi32, #tpu.memory_space<hbm>>
      %dma_start3A_19 = tpu.memref_squeeze %dma_start3A_18 : memref<1x79x128xi32, #tpu.memory_space<hbm>> -> memref<79x128xi32, #tpu.memory_space<hbm>>
      tpu.enqueue_dma source(%dma_start3A_19 : memref<79x128xi32, #tpu.memory_space<hbm>>) target(%arg8 : memref<79x128xi32, #tpu.memory_space<vmem>>) target_semaphore(%run_scoped3A : memref<!tpu.dma_semaphore, #tpu.memory_space<semaphore_mem>>)
      %dma_wait3A = arith.constant 0 : i32
      %dma_wait3A_20 = arith.constant 0 : i32
      %dma_wait3A_21 = tpu.memref_slice %arg4[%add3A, %dma_wait3A, %dma_wait3A_20] : memref<32x79x128xi32, #tpu.memory_space<hbm>> -> memref<1x79x128xi32, #tpu.memory_space<hbm>>
      %dma_wait3A_22 = tpu.memref_squeeze %dma_wait3A_21 : memref<1x79x128xi32, #tpu.memory_space<hbm>> -> memref<79x128xi32, #tpu.memory_space<hbm>>
      %dma_wait3A_23 = arith.constant 0 : i32
      %dma_wait3A_24 = arith.constant 0 : i32
      %dma_wait3A_25 = tpu.memref_slice %arg4[%add3A, %dma_wait3A_23, %dma_wait3A_24] : memref<32x79x128xi32, #tpu.memory_space<hbm>> -> memref<1x79x128xi32, #tpu.memory_space<hbm>>
      %dma_wait3A_26 = tpu.memref_squeeze %dma_wait3A_25 : memref<1x79x128xi32, #tpu.memory_space<hbm>> -> memref<79x128xi32, #tpu.memory_space<hbm>>
      tpu.wait_dma2 semaphore(%run_scoped3A : memref<!tpu.dma_semaphore, #tpu.memory_space<semaphore_mem>>) src(%dma_wait3A_26 : memref<79x128xi32, #tpu.memory_space<hbm>>) dst(%arg8 : memref<79x128xi32, #tpu.memory_space<vmem>>)
      tpu.yield
    }) : () -> ()
    %barrier3A = arith.constant 0 : index
    tpu.barrier barrier_id(%barrier3A)
    %scan3A = arith.constant 0 : i32
    %scan3A_3 = arith.constant 0 : i32
    %scan3A_4 = arith.constant 79 : i32
    %scan3A_5 = arith.addi %scan3A_3, %scan3A_4 : i32
    %scan3A_6 = arith.constant 1 : i32
    scf.for %scan3A_13 = %scan3A_3 to %scan3A_5 step %scan3A_6  : i32 {
      %dma_start3A = arith.constant 0 : i32
      %dma_start3A_14 = tpu.memref_slice %arg7[%scan3A_13, %dma_start3A] : memref<79x128xi32, #tpu.memory_space<vmem>> -> memref<1x128xi32, #tpu.memory_space<vmem>>
      %dma_start3A_15 = tpu.memref_squeeze %dma_start3A_14 : memref<1x128xi32, #tpu.memory_space<vmem>> -> memref<128xi32, #tpu.memory_space<vmem>>
      %dma_start3A_16 = arith.constant 0 : i32
      %dma_start3A_17 = arith.constant 0 : i32
      %dma_start3A_18 = tpu.memref_slice %arg2[%dma_start3A_16, %dma_start3A_17] : memref<10000x128xf32, #tpu.memory_space<hbm>> -> memref<10000x128xf32, #tpu.memory_space<hbm>>
      tpu.enqueue_indirect_dma source(%dma_start3A_18 : memref<10000x128xf32, #tpu.memory_space<hbm>>) target(%arg9 : memref<128x128xf32, #tpu.memory_space<vmem>>) offsets(%dma_start3A_15 : memref<128xi32, #tpu.memory_space<vmem>>) semaphore(%arg11 : memref<!tpu.dma_semaphore, #tpu.memory_space<semaphore_mem>>)
      %dma_wait3A = arith.constant 0 : i32
      %dma_wait3A_19 = tpu.memref_slice %arg7[%scan3A_13, %dma_wait3A] : memref<79x128xi32, #tpu.memory_space<vmem>> -> memref<1x128xi32, #tpu.memory_space<vmem>>
      %dma_wait3A_20 = tpu.memref_squeeze %dma_wait3A_19 : memref<1x128xi32, #tpu.memory_space<vmem>> -> memref<128xi32, #tpu.memory_space<vmem>>
      %dma_wait3A_21 = arith.constant 0 : i32
      %dma_wait3A_22 = arith.constant 0 : i32
      %dma_wait3A_23 = tpu.memref_slice %arg2[%dma_wait3A_21, %dma_wait3A_22] : memref<10000x128xf32, #tpu.memory_space<hbm>> -> memref<10000x128xf32, #tpu.memory_space<hbm>>
      tpu.wait_indirect_dma semaphore(%arg11 : memref<!tpu.dma_semaphore, #tpu.memory_space<semaphore_mem>>) src(%dma_wait3A_23 : memref<10000x128xf32, #tpu.memory_space<hbm>>) dst(%arg9 : memref<128x128xf32, #tpu.memory_space<vmem>>)
      "tpu.region"() ({
        %run_scoped3A = tpu.sem_alloc : memref<!tpu.dma_semaphore, #tpu.memory_space<semaphore_mem>>
        %dma_start3A_24 = arith.constant 0 : i32
        %dma_start3A_25 = tpu.memref_slice %arg8[%scan3A_13, %dma_start3A_24] : memref<79x128xi32, #tpu.memory_space<vmem>> -> memref<1x128xi32, #tpu.memory_space<vmem>>
        %dma_start3A_26 = tpu.memref_squeeze %dma_start3A_25 : memref<1x128xi32, #tpu.memory_space<vmem>> -> memref<128xi32, #tpu.memory_space<vmem>>
        %dma_start3A_27 = arith.constant 0 : i32
        %dma_start3A_28 = arith.constant 0 : i32
        %dma_start3A_29 = tpu.memref_slice %arg10[%dma_start3A_27, %dma_start3A_28] : memref<10240x128xf32, #tpu.memory_space<vmem_shared>> -> memref<10240x128xf32, #tpu.memory_space<vmem_shared>>
        tpu.enqueue_indirect_dma source(%arg9 : memref<128x128xf32, #tpu.memory_space<vmem>>) target(%dma_start3A_29 : memref<10240x128xf32, #tpu.memory_space<vmem_shared>>) offsets(%dma_start3A_26 : memref<128xi32, #tpu.memory_space<vmem>>) semaphore(%run_scoped3A : memref<!tpu.dma_semaphore, #tpu.memory_space<semaphore_mem>>) {add = true}
        %dma_wait3A_30 = arith.constant 0 : i32
        %dma_wait3A_31 = tpu.memref_slice %arg8[%scan3A_13, %dma_wait3A_30] : memref<79x128xi32, #tpu.memory_space<vmem>> -> memref<1x128xi32, #tpu.memory_space<vmem>>
        %dma_wait3A_32 = tpu.memref_squeeze %dma_wait3A_31 : memref<1x128xi32, #tpu.memory_space<vmem>> -> memref<128xi32, #tpu.memory_space<vmem>>
        %dma_wait3A_33 = arith.constant 0 : i32
        %dma_wait3A_34 = arith.constant 0 : i32
        %dma_wait3A_35 = tpu.memref_slice %arg10[%dma_wait3A_33, %dma_wait3A_34] : memref<10240x128xf32, #tpu.memory_space<vmem_shared>> -> memref<10240x128xf32, #tpu.memory_space<vmem_shared>>
        tpu.wait_indirect_dma semaphore(%run_scoped3A : memref<!tpu.dma_semaphore, #tpu.memory_space<semaphore_mem>>) src(%arg9 : memref<128x128xf32, #tpu.memory_space<vmem>>) dst(%dma_wait3A_35 : memref<10240x128xf32, #tpu.memory_space<vmem_shared>>)
        tpu.yield
      }) : () -> ()
    }
    %scan3A_7 = arith.constant 79 : i32
    %barrier3A_8 = arith.constant 0 : index
    tpu.barrier barrier_id(%barrier3A_8)
    %mul3A_9 = arith.constant 640 : i32
    %mul3A_10 = arith.muli %arg1, %mul3A_9 : i32
    %mul3A_11 = arith.constant 640 : i32
    %mul3A_12 = arith.muli %arg1, %mul3A_11 : i32
    "tpu.region"() ({
      %run_scoped3A = tpu.sem_alloc : memref<!tpu.dma_semaphore, #tpu.memory_space<semaphore_mem>>
      %dma_start3A = arith.constant 0 : i32
      %dma_start3A_13 = tpu.memref_slice %arg6[%arg0, %mul3A_12, %dma_start3A] : memref<2x10240x128xf32, #tpu.memory_space<hbm>> -> memref<1x640x128xf32, #tpu.memory_space<hbm>>
      %dma_start3A_14 = tpu.memref_squeeze %dma_start3A_13 : memref<1x640x128xf32, #tpu.memory_space<hbm>> -> memref<640x128xf32, #tpu.memory_space<hbm>>
      %dma_start3A_15 = arith.constant 0 : i32
      %dma_start3A_16 = tpu.memref_slice %arg10[%mul3A_10, %dma_start3A_15] : memref<10240x128xf32, #tpu.memory_space<vmem_shared>> -> memref<640x128xf32, #tpu.memory_space<vmem_shared>>
      tpu.enqueue_dma source(%dma_start3A_16 : memref<640x128xf32, #tpu.memory_space<vmem_shared>>) target(%dma_start3A_14 : memref<640x128xf32, #tpu.memory_space<hbm>>) target_semaphore(%run_scoped3A : memref<!tpu.dma_semaphore, #tpu.memory_space<semaphore_mem>>)
      %dma_wait3A = arith.constant 0 : i32
      %dma_wait3A_17 = tpu.memref_slice %arg6[%arg0, %mul3A_12, %dma_wait3A] : memref<2x10240x128xf32, #tpu.memory_space<hbm>> -> memref<1x640x128xf32, #tpu.memory_space<hbm>>
      %dma_wait3A_18 = tpu.memref_squeeze %dma_wait3A_17 : memref<1x640x128xf32, #tpu.memory_space<hbm>> -> memref<640x128xf32, #tpu.memory_space<hbm>>
      %dma_wait3A_19 = arith.constant 0 : i32
      %dma_wait3A_20 = tpu.memref_slice %arg10[%mul3A_10, %dma_wait3A_19] : memref<10240x128xf32, #tpu.memory_space<vmem_shared>> -> memref<640x128xf32, #tpu.memory_space<vmem_shared>>
      tpu.wait_dma2 semaphore(%run_scoped3A : memref<!tpu.dma_semaphore, #tpu.memory_space<semaphore_mem>>) src(%dma_wait3A_20 : memref<640x128xf32, #tpu.memory_space<vmem_shared>>) dst(%dma_wait3A_18 : memref<640x128xf32, #tpu.memory_space<hbm>>)
      tpu.yield
    }) : () -> ()
    return
  }
}

#map = affine_map<(d0, d1) -> (0, 0)>
#map1 = affine_map<(d0, d1) -> (0, 0, 0)>
module attributes {stable_mosaic.version = 14 : i64} {
  func.func @agg(%arg0: i32, %arg1: i32, %arg2: memref<10000x128xf32, #tpu.memory_space<hbm>>, %arg3: memref<32x79x128xi32, #tpu.memory_space<hbm>>, %arg4: memref<32x79x128xi32, #tpu.memory_space<hbm>>, %arg5: memref<640x128xf32, #tpu.memory_space<hbm>>, %arg6: memref<2x10240x128xf32, #tpu.memory_space<hbm>>, %arg7: memref<79x128xi32, #tpu.memory_space<vmem>>, %arg8: memref<79x128xi32, #tpu.memory_space<vmem>>, %arg9: memref<128x128xf32, #tpu.memory_space<vmem>>, %arg10: memref<10240x128xf32, #tpu.memory_space<vmem_shared>>, %arg11: memref<!tpu.dma_semaphore, #tpu.memory_space<semaphore_mem>>) attributes {dimension_semantics = [#tpu.dimension_semantics<core_parallel>, #tpu.dimension_semantics<subcore_parallel>], iteration_bounds = array<i64: 2, 16>, scalar_prefetch = 0 : i64, scratch_operands = 5 : i64, tpu.core_type = #tpu.core_type<sc_vector_subcore>, window_params = [{transform_indices = #map}, {transform_indices = #map1}, {transform_indices = #map1}, {transform_indices = #map}, {transform_indices = #map1}]} {
    %mul3A = arith.constant 16 : i32
    %mul3A_0 = arith.muli %arg0, %mul3A : i32
    %add3A = arith.addi %mul3A_0, %arg1 : i32
    %mul3A_1 = arith.constant 640 : i32
    %mul3A_2 = arith.muli %arg1, %mul3A_1 : i32
    "tpu.region"() ({
      %run_scoped3A = tpu.sem_alloc : memref<!tpu.dma_semaphore, #tpu.memory_space<semaphore_mem>>
      %dma_start3A = arith.constant 0 : i32
      %dma_start3A_13 = tpu.memref_slice %arg10[%mul3A_2, %dma_start3A] : memref<10240x128xf32, #tpu.memory_space<vmem_shared>> -> memref<640x128xf32, #tpu.memory_space<vmem_shared>>
      tpu.enqueue_dma source(%arg5 : memref<640x128xf32, #tpu.memory_space<hbm>>) target(%dma_start3A_13 : memref<640x128xf32, #tpu.memory_space<vmem_shared>>) target_semaphore(%run_scoped3A : memref<!tpu.dma_semaphore, #tpu.memory_space<semaphore_mem>>)
      %dma_wait3A = arith.constant 0 : i32
      %dma_wait3A_14 = tpu.memref_slice %arg10[%mul3A_2, %dma_wait3A] : memref<10240x128xf32, #tpu.memory_space<vmem_shared>> -> memref<640x128xf32, #tpu.memory_space<vmem_shared>>
      tpu.wait_dma2 semaphore(%run_scoped3A : memref<!tpu.dma_semaphore, #tpu.memory_space<semaphore_mem>>) src(%arg5 : memref<640x128xf32, #tpu.memory_space<hbm>>) dst(%dma_wait3A_14 : memref<640x128xf32, #tpu.memory_space<vmem_shared>>)
      tpu.yield
    }) : () -> ()
    "tpu.region"() ({
      %run_scoped3A = tpu.sem_alloc : memref<!tpu.dma_semaphore, #tpu.memory_space<semaphore_mem>>
      %dma_start3A = arith.constant 0 : i32
      %dma_start3A_13 = arith.constant 0 : i32
      %dma_start3A_14 = tpu.memref_slice %arg3[%add3A, %dma_start3A, %dma_start3A_13] : memref<32x79x128xi32, #tpu.memory_space<hbm>> -> memref<1x79x128xi32, #tpu.memory_space<hbm>>
      %dma_start3A_15 = tpu.memref_squeeze %dma_start3A_14 : memref<1x79x128xi32, #tpu.memory_space<hbm>> -> memref<79x128xi32, #tpu.memory_space<hbm>>
      %dma_start3A_16 = arith.constant 0 : i32
      %dma_start3A_17 = arith.constant 0 : i32
      %dma_start3A_18 = tpu.memref_slice %arg3[%add3A, %dma_start3A_16, %dma_start3A_17] : memref<32x79x128xi32, #tpu.memory_space<hbm>> -> memref<1x79x128xi32, #tpu.memory_space<hbm>>
      %dma_start3A_19 = tpu.memref_squeeze %dma_start3A_18 : memref<1x79x128xi32, #tpu.memory_space<hbm>> -> memref<79x128xi32, #tpu.memory_space<hbm>>
      tpu.enqueue_dma source(%dma_start3A_19 : memref<79x128xi32, #tpu.memory_space<hbm>>) target(%arg7 : memref<79x128xi32, #tpu.memory_space<vmem>>) target_semaphore(%run_scoped3A : memref<!tpu.dma_semaphore, #tpu.memory_space<semaphore_mem>>)
      %dma_wait3A = arith.constant 0 : i32
      %dma_wait3A_20 = arith.constant 0 : i32
      %dma_wait3A_21 = tpu.memref_slice %arg3[%add3A, %dma_wait3A, %dma_wait3A_20] : memref<32x79x128xi32, #tpu.memory_space<hbm>> -> memref<1x79x128xi32, #tpu.memory_space<hbm>>
      %dma_wait3A_22 = tpu.memref_squeeze %dma_wait3A_21 : memref<1x79x128xi32, #tpu.memory_space<hbm>> -> memref<79x128xi32, #tpu.memory_space<hbm>>
      %dma_wait3A_23 = arith.constant 0 : i32
      %dma_wait3A_24 = arith.constant 0 : i32
      %dma_wait3A_25 = tpu.memref_slice %arg3[%add3A, %dma_wait3A_23, %dma_wait3A_24] : memref<32x79x128xi32, #tpu.memory_space<hbm>> -> memref<1x79x128xi32, #tpu.memory_space<hbm>>
      %dma_wait3A_26 = tpu.memref_squeeze %dma_wait3A_25 : memref<1x79x128xi32, #tpu.memory_space<hbm>> -> memref<79x128xi32, #tpu.memory_space<hbm>>
      tpu.wait_dma2 semaphore(%run_scoped3A : memref<!tpu.dma_semaphore, #tpu.memory_space<semaphore_mem>>) src(%dma_wait3A_26 : memref<79x128xi32, #tpu.memory_space<hbm>>) dst(%arg7 : memref<79x128xi32, #tpu.memory_space<vmem>>)
      tpu.yield
    }) : () -> ()
    "tpu.region"() ({
      %run_scoped3A = tpu.sem_alloc : memref<!tpu.dma_semaphore, #tpu.memory_space<semaphore_mem>>
      %dma_start3A = arith.constant 0 : i32
      %dma_start3A_13 = arith.constant 0 : i32
      %dma_start3A_14 = tpu.memref_slice %arg4[%add3A, %dma_start3A, %dma_start3A_13] : memref<32x79x128xi32, #tpu.memory_space<hbm>> -> memref<1x79x128xi32, #tpu.memory_space<hbm>>
      %dma_start3A_15 = tpu.memref_squeeze %dma_start3A_14 : memref<1x79x128xi32, #tpu.memory_space<hbm>> -> memref<79x128xi32, #tpu.memory_space<hbm>>
      %dma_start3A_16 = arith.constant 0 : i32
      %dma_start3A_17 = arith.constant 0 : i32
      %dma_start3A_18 = tpu.memref_slice %arg4[%add3A, %dma_start3A_16, %dma_start3A_17] : memref<32x79x128xi32, #tpu.memory_space<hbm>> -> memref<1x79x128xi32, #tpu.memory_space<hbm>>
      %dma_start3A_19 = tpu.memref_squeeze %dma_start3A_18 : memref<1x79x128xi32, #tpu.memory_space<hbm>> -> memref<79x128xi32, #tpu.memory_space<hbm>>
      tpu.enqueue_dma source(%dma_start3A_19 : memref<79x128xi32, #tpu.memory_space<hbm>>) target(%arg8 : memref<79x128xi32, #tpu.memory_space<vmem>>) target_semaphore(%run_scoped3A : memref<!tpu.dma_semaphore, #tpu.memory_space<semaphore_mem>>)
      %dma_wait3A = arith.constant 0 : i32
      %dma_wait3A_20 = arith.constant 0 : i32
      %dma_wait3A_21 = tpu.memref_slice %arg4[%add3A, %dma_wait3A, %dma_wait3A_20] : memref<32x79x128xi32, #tpu.memory_space<hbm>> -> memref<1x79x128xi32, #tpu.memory_space<hbm>>
      %dma_wait3A_22 = tpu.memref_squeeze %dma_wait3A_21 : memref<1x79x128xi32, #tpu.memory_space<hbm>> -> memref<79x128xi32, #tpu.memory_space<hbm>>
      %dma_wait3A_23 = arith.constant 0 : i32
      %dma_wait3A_24 = arith.constant 0 : i32
      %dma_wait3A_25 = tpu.memref_slice %arg4[%add3A, %dma_wait3A_23, %dma_wait3A_24] : memref<32x79x128xi32, #tpu.memory_space<hbm>> -> memref<1x79x128xi32, #tpu.memory_space<hbm>>
      %dma_wait3A_26 = tpu.memref_squeeze %dma_wait3A_25 : memref<1x79x128xi32, #tpu.memory_space<hbm>> -> memref<79x128xi32, #tpu.memory_space<hbm>>
      tpu.wait_dma2 semaphore(%run_scoped3A : memref<!tpu.dma_semaphore, #tpu.memory_space<semaphore_mem>>) src(%dma_wait3A_26 : memref<79x128xi32, #tpu.memory_space<hbm>>) dst(%arg8 : memref<79x128xi32, #tpu.memory_space<vmem>>)
      tpu.yield
    }) : () -> ()
    %barrier3A = arith.constant 0 : index
    tpu.barrier barrier_id(%barrier3A)
    %scan3A = arith.constant 0 : i32
    %scan3A_3 = arith.constant 0 : i32
    %scan3A_4 = arith.constant 79 : i32
    %scan3A_5 = arith.addi %scan3A_3, %scan3A_4 : i32
    %scan3A_6 = arith.constant 1 : i32
    scf.for %scan3A_13 = %scan3A_3 to %scan3A_5 step %scan3A_6  : i32 {
      %dma_start3A = arith.constant 0 : i32
      %dma_start3A_14 = tpu.memref_slice %arg7[%scan3A_13, %dma_start3A] : memref<79x128xi32, #tpu.memory_space<vmem>> -> memref<1x128xi32, #tpu.memory_space<vmem>>
      %dma_start3A_15 = tpu.memref_squeeze %dma_start3A_14 : memref<1x128xi32, #tpu.memory_space<vmem>> -> memref<128xi32, #tpu.memory_space<vmem>>
      %dma_start3A_16 = arith.constant 0 : i32
      %dma_start3A_17 = arith.constant 0 : i32
      %dma_start3A_18 = tpu.memref_slice %arg2[%dma_start3A_16, %dma_start3A_17] : memref<10000x128xf32, #tpu.memory_space<hbm>> -> memref<10000x128xf32, #tpu.memory_space<hbm>>
      tpu.enqueue_indirect_dma source(%dma_start3A_18 : memref<10000x128xf32, #tpu.memory_space<hbm>>) target(%arg9 : memref<128x128xf32, #tpu.memory_space<vmem>>) offsets(%dma_start3A_15 : memref<128xi32, #tpu.memory_space<vmem>>) semaphore(%arg11 : memref<!tpu.dma_semaphore, #tpu.memory_space<semaphore_mem>>)
      %dma_wait3A = arith.constant 0 : i32
      %dma_wait3A_19 = tpu.memref_slice %arg7[%scan3A_13, %dma_wait3A] : memref<79x128xi32, #tpu.memory_space<vmem>> -> memref<1x128xi32, #tpu.memory_space<vmem>>
      %dma_wait3A_20 = tpu.memref_squeeze %dma_wait3A_19 : memref<1x128xi32, #tpu.memory_space<vmem>> -> memref<128xi32, #tpu.memory_space<vmem>>
      %dma_wait3A_21 = arith.constant 0 : i32
      %dma_wait3A_22 = arith.constant 0 : i32
      %dma_wait3A_23 = tpu.memref_slice %arg2[%dma_wait3A_21, %dma_wait3A_22] : memref<10000x128xf32, #tpu.memory_space<hbm>> -> memref<10000x128xf32, #tpu.memory_space<hbm>>
      tpu.wait_indirect_dma semaphore(%arg11 : memref<!tpu.dma_semaphore, #tpu.memory_space<semaphore_mem>>) src(%dma_wait3A_23 : memref<10000x128xf32, #tpu.memory_space<hbm>>) dst(%arg9 : memref<128x128xf32, #tpu.memory_space<vmem>>)
      "tpu.region"() ({
        %run_scoped3A = tpu.sem_alloc : memref<!tpu.dma_semaphore, #tpu.memory_space<semaphore_mem>>
        %dma_start3A_24 = arith.constant 0 : i32
        %dma_start3A_25 = tpu.memref_slice %arg8[%scan3A_13, %dma_start3A_24] : memref<79x128xi32, #tpu.memory_space<vmem>> -> memref<1x128xi32, #tpu.memory_space<vmem>>
        %dma_start3A_26 = tpu.memref_squeeze %dma_start3A_25 : memref<1x128xi32, #tpu.memory_space<vmem>> -> memref<128xi32, #tpu.memory_space<vmem>>
        %dma_start3A_27 = arith.constant 0 : i32
        %dma_start3A_28 = arith.constant 0 : i32
        %dma_start3A_29 = tpu.memref_slice %arg10[%dma_start3A_27, %dma_start3A_28] : memref<10240x128xf32, #tpu.memory_space<vmem_shared>> -> memref<10240x128xf32, #tpu.memory_space<vmem_shared>>
        tpu.enqueue_indirect_dma source(%arg9 : memref<128x128xf32, #tpu.memory_space<vmem>>) target(%dma_start3A_29 : memref<10240x128xf32, #tpu.memory_space<vmem_shared>>) offsets(%dma_start3A_26 : memref<128xi32, #tpu.memory_space<vmem>>) semaphore(%run_scoped3A : memref<!tpu.dma_semaphore, #tpu.memory_space<semaphore_mem>>) {add = true}
        %dma_wait3A_30 = arith.constant 0 : i32
        %dma_wait3A_31 = tpu.memref_slice %arg8[%scan3A_13, %dma_wait3A_30] : memref<79x128xi32, #tpu.memory_space<vmem>> -> memref<1x128xi32, #tpu.memory_space<vmem>>
        %dma_wait3A_32 = tpu.memref_squeeze %dma_wait3A_31 : memref<1x128xi32, #tpu.memory_space<vmem>> -> memref<128xi32, #tpu.memory_space<vmem>>
        %dma_wait3A_33 = arith.constant 0 : i32
        %dma_wait3A_34 = arith.constant 0 : i32
        %dma_wait3A_35 = tpu.memref_slice %arg10[%dma_wait3A_33, %dma_wait3A_34] : memref<10240x128xf32, #tpu.memory_space<vmem_shared>> -> memref<10240x128xf32, #tpu.memory_space<vmem_shared>>
        tpu.wait_indirect_dma semaphore(%run_scoped3A : memref<!tpu.dma_semaphore, #tpu.memory_space<semaphore_mem>>) src(%arg9 : memref<128x128xf32, #tpu.memory_space<vmem>>) dst(%dma_wait3A_35 : memref<10240x128xf32, #tpu.memory_space<vmem_shared>>)
        tpu.yield
      }) : () -> ()
    }
    %scan3A_7 = arith.constant 79 : i32
    %barrier3A_8 = arith.constant 0 : index
    tpu.barrier barrier_id(%barrier3A_8)
    %mul3A_9 = arith.constant 640 : i32
    %mul3A_10 = arith.muli %arg1, %mul3A_9 : i32
    %mul3A_11 = arith.constant 640 : i32
    %mul3A_12 = arith.muli %arg1, %mul3A_11 : i32
    "tpu.region"() ({
      %run_scoped3A = tpu.sem_alloc : memref<!tpu.dma_semaphore, #tpu.memory_space<semaphore_mem>>
      %dma_start3A = arith.constant 0 : i32
      %dma_start3A_13 = tpu.memref_slice %arg6[%arg0, %mul3A_12, %dma_start3A] : memref<2x10240x128xf32, #tpu.memory_space<hbm>> -> memref<1x640x128xf32, #tpu.memory_space<hbm>>
      %dma_start3A_14 = tpu.memref_squeeze %dma_start3A_13 : memref<1x640x128xf32, #tpu.memory_space<hbm>> -> memref<640x128xf32, #tpu.memory_space<hbm>>
      %dma_start3A_15 = arith.constant 0 : i32
      %dma_start3A_16 = tpu.memref_slice %arg10[%mul3A_10, %dma_start3A_15] : memref<10240x128xf32, #tpu.memory_space<vmem_shared>> -> memref<640x128xf32, #tpu.memory_space<vmem_shared>>
      tpu.enqueue_dma source(%dma_start3A_16 : memref<640x128xf32, #tpu.memory_space<vmem_shared>>) target(%dma_start3A_14 : memref<640x128xf32, #tpu.memory_space<hbm>>) target_semaphore(%run_scoped3A : memref<!tpu.dma_semaphore, #tpu.memory_space<semaphore_mem>>)
      %dma_wait3A = arith.constant 0 : i32
      %dma_wait3A_17 = tpu.memref_slice %arg6[%arg0, %mul3A_12, %dma_wait3A] : memref<2x10240x128xf32, #tpu.memory_space<hbm>> -> memref<1x640x128xf32, #tpu.memory_space<hbm>>
      %dma_wait3A_18 = tpu.memref_squeeze %dma_wait3A_17 : memref<1x640x128xf32, #tpu.memory_space<hbm>> -> memref<640x128xf32, #tpu.memory_space<hbm>>
      %dma_wait3A_19 = arith.constant 0 : i32
      %dma_wait3A_20 = tpu.memref_slice %arg10[%mul3A_10, %dma_wait3A_19] : memref<10240x128xf32, #tpu.memory_space<vmem_shared>> -> memref<640x128xf32, #tpu.memory_space<vmem_shared>>
      tpu.wait_dma2 semaphore(%run_scoped3A : memref<!tpu.dma_semaphore, #tpu.memory_space<semaphore_mem>>) src(%dma_wait3A_20 : memref<640x128xf32, #tpu.memory_space<vmem_shared>>) dst(%dma_wait3A_18 : memref<640x128xf32, #tpu.memory_space<hbm>>)
      tpu.yield
    }) : () -> ()
    return
  }
}

#map = affine_map<(d0, d1) -> (0, 0)>
#map1 = affine_map<(d0, d1) -> (0, 0, 0)>
module attributes {stable_mosaic.version = 14 : i64} {
  func.func @agg(%arg0: i32, %arg1: i32, %arg2: memref<10000x128xf32, #tpu.memory_space<hbm>>, %arg3: memref<32x79x128xi32, #tpu.memory_space<hbm>>, %arg4: memref<32x79x128xi32, #tpu.memory_space<hbm>>, %arg5: memref<640x128xf32, #tpu.memory_space<hbm>>, %arg6: memref<2x10240x128xf32, #tpu.memory_space<hbm>>, %arg7: memref<79x128xi32, #tpu.memory_space<vmem>>, %arg8: memref<79x128xi32, #tpu.memory_space<vmem>>, %arg9: memref<128x128xf32, #tpu.memory_space<vmem>>, %arg10: memref<10240x128xf32, #tpu.memory_space<vmem_shared>>, %arg11: memref<!tpu.dma_semaphore, #tpu.memory_space<semaphore_mem>>) attributes {dimension_semantics = [#tpu.dimension_semantics<core_parallel>, #tpu.dimension_semantics<subcore_parallel>], iteration_bounds = array<i64: 2, 16>, scalar_prefetch = 0 : i64, scratch_operands = 5 : i64, tpu.core_type = #tpu.core_type<sc_vector_subcore>, window_params = [{transform_indices = #map}, {transform_indices = #map1}, {transform_indices = #map1}, {transform_indices = #map}, {transform_indices = #map1}]} {
    %mul3A = arith.constant 16 : i32
    %mul3A_0 = arith.muli %arg0, %mul3A : i32
    %add3A = arith.addi %mul3A_0, %arg1 : i32
    %mul3A_1 = arith.constant 640 : i32
    %mul3A_2 = arith.muli %arg1, %mul3A_1 : i32
    "tpu.region"() ({
      %run_scoped3A = tpu.sem_alloc : memref<!tpu.dma_semaphore, #tpu.memory_space<semaphore_mem>>
      %dma_start3A = arith.constant 0 : i32
      %dma_start3A_13 = tpu.memref_slice %arg10[%mul3A_2, %dma_start3A] : memref<10240x128xf32, #tpu.memory_space<vmem_shared>> -> memref<640x128xf32, #tpu.memory_space<vmem_shared>>
      tpu.enqueue_dma source(%arg5 : memref<640x128xf32, #tpu.memory_space<hbm>>) target(%dma_start3A_13 : memref<640x128xf32, #tpu.memory_space<vmem_shared>>) target_semaphore(%run_scoped3A : memref<!tpu.dma_semaphore, #tpu.memory_space<semaphore_mem>>)
      %dma_wait3A = arith.constant 0 : i32
      %dma_wait3A_14 = tpu.memref_slice %arg10[%mul3A_2, %dma_wait3A] : memref<10240x128xf32, #tpu.memory_space<vmem_shared>> -> memref<640x128xf32, #tpu.memory_space<vmem_shared>>
      tpu.wait_dma2 semaphore(%run_scoped3A : memref<!tpu.dma_semaphore, #tpu.memory_space<semaphore_mem>>) src(%arg5 : memref<640x128xf32, #tpu.memory_space<hbm>>) dst(%dma_wait3A_14 : memref<640x128xf32, #tpu.memory_space<vmem_shared>>)
      tpu.yield
    }) : () -> ()
    "tpu.region"() ({
      %run_scoped3A = tpu.sem_alloc : memref<!tpu.dma_semaphore, #tpu.memory_space<semaphore_mem>>
      %dma_start3A = arith.constant 0 : i32
      %dma_start3A_13 = arith.constant 0 : i32
      %dma_start3A_14 = tpu.memref_slice %arg3[%add3A, %dma_start3A, %dma_start3A_13] : memref<32x79x128xi32, #tpu.memory_space<hbm>> -> memref<1x79x128xi32, #tpu.memory_space<hbm>>
      %dma_start3A_15 = tpu.memref_squeeze %dma_start3A_14 : memref<1x79x128xi32, #tpu.memory_space<hbm>> -> memref<79x128xi32, #tpu.memory_space<hbm>>
      %dma_start3A_16 = arith.constant 0 : i32
      %dma_start3A_17 = arith.constant 0 : i32
      %dma_start3A_18 = tpu.memref_slice %arg3[%add3A, %dma_start3A_16, %dma_start3A_17] : memref<32x79x128xi32, #tpu.memory_space<hbm>> -> memref<1x79x128xi32, #tpu.memory_space<hbm>>
      %dma_start3A_19 = tpu.memref_squeeze %dma_start3A_18 : memref<1x79x128xi32, #tpu.memory_space<hbm>> -> memref<79x128xi32, #tpu.memory_space<hbm>>
      tpu.enqueue_dma source(%dma_start3A_19 : memref<79x128xi32, #tpu.memory_space<hbm>>) target(%arg7 : memref<79x128xi32, #tpu.memory_space<vmem>>) target_semaphore(%run_scoped3A : memref<!tpu.dma_semaphore, #tpu.memory_space<semaphore_mem>>)
      %dma_wait3A = arith.constant 0 : i32
      %dma_wait3A_20 = arith.constant 0 : i32
      %dma_wait3A_21 = tpu.memref_slice %arg3[%add3A, %dma_wait3A, %dma_wait3A_20] : memref<32x79x128xi32, #tpu.memory_space<hbm>> -> memref<1x79x128xi32, #tpu.memory_space<hbm>>
      %dma_wait3A_22 = tpu.memref_squeeze %dma_wait3A_21 : memref<1x79x128xi32, #tpu.memory_space<hbm>> -> memref<79x128xi32, #tpu.memory_space<hbm>>
      %dma_wait3A_23 = arith.constant 0 : i32
      %dma_wait3A_24 = arith.constant 0 : i32
      %dma_wait3A_25 = tpu.memref_slice %arg3[%add3A, %dma_wait3A_23, %dma_wait3A_24] : memref<32x79x128xi32, #tpu.memory_space<hbm>> -> memref<1x79x128xi32, #tpu.memory_space<hbm>>
      %dma_wait3A_26 = tpu.memref_squeeze %dma_wait3A_25 : memref<1x79x128xi32, #tpu.memory_space<hbm>> -> memref<79x128xi32, #tpu.memory_space<hbm>>
      tpu.wait_dma2 semaphore(%run_scoped3A : memref<!tpu.dma_semaphore, #tpu.memory_space<semaphore_mem>>) src(%dma_wait3A_26 : memref<79x128xi32, #tpu.memory_space<hbm>>) dst(%arg7 : memref<79x128xi32, #tpu.memory_space<vmem>>)
      tpu.yield
    }) : () -> ()
    "tpu.region"() ({
      %run_scoped3A = tpu.sem_alloc : memref<!tpu.dma_semaphore, #tpu.memory_space<semaphore_mem>>
      %dma_start3A = arith.constant 0 : i32
      %dma_start3A_13 = arith.constant 0 : i32
      %dma_start3A_14 = tpu.memref_slice %arg4[%add3A, %dma_start3A, %dma_start3A_13] : memref<32x79x128xi32, #tpu.memory_space<hbm>> -> memref<1x79x128xi32, #tpu.memory_space<hbm>>
      %dma_start3A_15 = tpu.memref_squeeze %dma_start3A_14 : memref<1x79x128xi32, #tpu.memory_space<hbm>> -> memref<79x128xi32, #tpu.memory_space<hbm>>
      %dma_start3A_16 = arith.constant 0 : i32
      %dma_start3A_17 = arith.constant 0 : i32
      %dma_start3A_18 = tpu.memref_slice %arg4[%add3A, %dma_start3A_16, %dma_start3A_17] : memref<32x79x128xi32, #tpu.memory_space<hbm>> -> memref<1x79x128xi32, #tpu.memory_space<hbm>>
      %dma_start3A_19 = tpu.memref_squeeze %dma_start3A_18 : memref<1x79x128xi32, #tpu.memory_space<hbm>> -> memref<79x128xi32, #tpu.memory_space<hbm>>
      tpu.enqueue_dma source(%dma_start3A_19 : memref<79x128xi32, #tpu.memory_space<hbm>>) target(%arg8 : memref<79x128xi32, #tpu.memory_space<vmem>>) target_semaphore(%run_scoped3A : memref<!tpu.dma_semaphore, #tpu.memory_space<semaphore_mem>>)
      %dma_wait3A = arith.constant 0 : i32
      %dma_wait3A_20 = arith.constant 0 : i32
      %dma_wait3A_21 = tpu.memref_slice %arg4[%add3A, %dma_wait3A, %dma_wait3A_20] : memref<32x79x128xi32, #tpu.memory_space<hbm>> -> memref<1x79x128xi32, #tpu.memory_space<hbm>>
      %dma_wait3A_22 = tpu.memref_squeeze %dma_wait3A_21 : memref<1x79x128xi32, #tpu.memory_space<hbm>> -> memref<79x128xi32, #tpu.memory_space<hbm>>
      %dma_wait3A_23 = arith.constant 0 : i32
      %dma_wait3A_24 = arith.constant 0 : i32
      %dma_wait3A_25 = tpu.memref_slice %arg4[%add3A, %dma_wait3A_23, %dma_wait3A_24] : memref<32x79x128xi32, #tpu.memory_space<hbm>> -> memref<1x79x128xi32, #tpu.memory_space<hbm>>
      %dma_wait3A_26 = tpu.memref_squeeze %dma_wait3A_25 : memref<1x79x128xi32, #tpu.memory_space<hbm>> -> memref<79x128xi32, #tpu.memory_space<hbm>>
      tpu.wait_dma2 semaphore(%run_scoped3A : memref<!tpu.dma_semaphore, #tpu.memory_space<semaphore_mem>>) src(%dma_wait3A_26 : memref<79x128xi32, #tpu.memory_space<hbm>>) dst(%arg8 : memref<79x128xi32, #tpu.memory_space<vmem>>)
      tpu.yield
    }) : () -> ()
    %barrier3A = arith.constant 0 : index
    tpu.barrier barrier_id(%barrier3A)
    %scan3A = arith.constant 0 : i32
    %scan3A_3 = arith.constant 0 : i32
    %scan3A_4 = arith.constant 79 : i32
    %scan3A_5 = arith.addi %scan3A_3, %scan3A_4 : i32
    %scan3A_6 = arith.constant 1 : i32
    scf.for %scan3A_13 = %scan3A_3 to %scan3A_5 step %scan3A_6  : i32 {
      %dma_start3A = arith.constant 0 : i32
      %dma_start3A_14 = tpu.memref_slice %arg7[%scan3A_13, %dma_start3A] : memref<79x128xi32, #tpu.memory_space<vmem>> -> memref<1x128xi32, #tpu.memory_space<vmem>>
      %dma_start3A_15 = tpu.memref_squeeze %dma_start3A_14 : memref<1x128xi32, #tpu.memory_space<vmem>> -> memref<128xi32, #tpu.memory_space<vmem>>
      %dma_start3A_16 = arith.constant 0 : i32
      %dma_start3A_17 = arith.constant 0 : i32
      %dma_start3A_18 = tpu.memref_slice %arg2[%dma_start3A_16, %dma_start3A_17] : memref<10000x128xf32, #tpu.memory_space<hbm>> -> memref<10000x128xf32, #tpu.memory_space<hbm>>
      tpu.enqueue_indirect_dma source(%dma_start3A_18 : memref<10000x128xf32, #tpu.memory_space<hbm>>) target(%arg9 : memref<128x128xf32, #tpu.memory_space<vmem>>) offsets(%dma_start3A_15 : memref<128xi32, #tpu.memory_space<vmem>>) semaphore(%arg11 : memref<!tpu.dma_semaphore, #tpu.memory_space<semaphore_mem>>)
      %dma_wait3A = arith.constant 0 : i32
      %dma_wait3A_19 = tpu.memref_slice %arg7[%scan3A_13, %dma_wait3A] : memref<79x128xi32, #tpu.memory_space<vmem>> -> memref<1x128xi32, #tpu.memory_space<vmem>>
      %dma_wait3A_20 = tpu.memref_squeeze %dma_wait3A_19 : memref<1x128xi32, #tpu.memory_space<vmem>> -> memref<128xi32, #tpu.memory_space<vmem>>
      %dma_wait3A_21 = arith.constant 0 : i32
      %dma_wait3A_22 = arith.constant 0 : i32
      %dma_wait3A_23 = tpu.memref_slice %arg2[%dma_wait3A_21, %dma_wait3A_22] : memref<10000x128xf32, #tpu.memory_space<hbm>> -> memref<10000x128xf32, #tpu.memory_space<hbm>>
      tpu.wait_indirect_dma semaphore(%arg11 : memref<!tpu.dma_semaphore, #tpu.memory_space<semaphore_mem>>) src(%dma_wait3A_23 : memref<10000x128xf32, #tpu.memory_space<hbm>>) dst(%arg9 : memref<128x128xf32, #tpu.memory_space<vmem>>)
      "tpu.region"() ({
        %run_scoped3A = tpu.sem_alloc : memref<!tpu.dma_semaphore, #tpu.memory_space<semaphore_mem>>
        %dma_start3A_24 = arith.constant 0 : i32
        %dma_start3A_25 = tpu.memref_slice %arg8[%scan3A_13, %dma_start3A_24] : memref<79x128xi32, #tpu.memory_space<vmem>> -> memref<1x128xi32, #tpu.memory_space<vmem>>
        %dma_start3A_26 = tpu.memref_squeeze %dma_start3A_25 : memref<1x128xi32, #tpu.memory_space<vmem>> -> memref<128xi32, #tpu.memory_space<vmem>>
        %dma_start3A_27 = arith.constant 0 : i32
        %dma_start3A_28 = arith.constant 0 : i32
        %dma_start3A_29 = tpu.memref_slice %arg10[%dma_start3A_27, %dma_start3A_28] : memref<10240x128xf32, #tpu.memory_space<vmem_shared>> -> memref<10240x128xf32, #tpu.memory_space<vmem_shared>>
        tpu.enqueue_indirect_dma source(%arg9 : memref<128x128xf32, #tpu.memory_space<vmem>>) target(%dma_start3A_29 : memref<10240x128xf32, #tpu.memory_space<vmem_shared>>) offsets(%dma_start3A_26 : memref<128xi32, #tpu.memory_space<vmem>>) semaphore(%run_scoped3A : memref<!tpu.dma_semaphore, #tpu.memory_space<semaphore_mem>>) {add = true}
        %dma_wait3A_30 = arith.constant 0 : i32
        %dma_wait3A_31 = tpu.memref_slice %arg8[%scan3A_13, %dma_wait3A_30] : memref<79x128xi32, #tpu.memory_space<vmem>> -> memref<1x128xi32, #tpu.memory_space<vmem>>
        %dma_wait3A_32 = tpu.memref_squeeze %dma_wait3A_31 : memref<1x128xi32, #tpu.memory_space<vmem>> -> memref<128xi32, #tpu.memory_space<vmem>>
        %dma_wait3A_33 = arith.constant 0 : i32
        %dma_wait3A_34 = arith.constant 0 : i32
        %dma_wait3A_35 = tpu.memref_slice %arg10[%dma_wait3A_33, %dma_wait3A_34] : memref<10240x128xf32, #tpu.memory_space<vmem_shared>> -> memref<10240x128xf32, #tpu.memory_space<vmem_shared>>
        tpu.wait_indirect_dma semaphore(%run_scoped3A : memref<!tpu.dma_semaphore, #tpu.memory_space<semaphore_mem>>) src(%arg9 : memref<128x128xf32, #tpu.memory_space<vmem>>) dst(%dma_wait3A_35 : memref<10240x128xf32, #tpu.memory_space<vmem_shared>>)
        tpu.yield
      }) : () -> ()
    }
    %scan3A_7 = arith.constant 79 : i32
    %barrier3A_8 = arith.constant 0 : index
    tpu.barrier barrier_id(%barrier3A_8)
    %mul3A_9 = arith.constant 640 : i32
    %mul3A_10 = arith.muli %arg1, %mul3A_9 : i32
    %mul3A_11 = arith.constant 640 : i32
    %mul3A_12 = arith.muli %arg1, %mul3A_11 : i32
    "tpu.region"() ({
      %run_scoped3A = tpu.sem_alloc : memref<!tpu.dma_semaphore, #tpu.memory_space<semaphore_mem>>
      %dma_start3A = arith.constant 0 : i32
      %dma_start3A_13 = tpu.memref_slice %arg6[%arg0, %mul3A_12, %dma_start3A] : memref<2x10240x128xf32, #tpu.memory_space<hbm>> -> memref<1x640x128xf32, #tpu.memory_space<hbm>>
      %dma_start3A_14 = tpu.memref_squeeze %dma_start3A_13 : memref<1x640x128xf32, #tpu.memory_space<hbm>> -> memref<640x128xf32, #tpu.memory_space<hbm>>
      %dma_start3A_15 = arith.constant 0 : i32
      %dma_start3A_16 = tpu.memref_slice %arg10[%mul3A_10, %dma_start3A_15] : memref<10240x128xf32, #tpu.memory_space<vmem_shared>> -> memref<640x128xf32, #tpu.memory_space<vmem_shared>>
      tpu.enqueue_dma source(%dma_start3A_16 : memref<640x128xf32, #tpu.memory_space<vmem_shared>>) target(%dma_start3A_14 : memref<640x128xf32, #tpu.memory_space<hbm>>) target_semaphore(%run_scoped3A : memref<!tpu.dma_semaphore, #tpu.memory_space<semaphore_mem>>)
      %dma_wait3A = arith.constant 0 : i32
      %dma_wait3A_17 = tpu.memref_slice %arg6[%arg0, %mul3A_12, %dma_wait3A] : memref<2x10240x128xf32, #tpu.memory_space<hbm>> -> memref<1x640x128xf32, #tpu.memory_space<hbm>>
      %dma_wait3A_18 = tpu.memref_squeeze %dma_wait3A_17 : memref<1x640x128xf32, #tpu.memory_space<hbm>> -> memref<640x128xf32, #tpu.memory_space<hbm>>
      %dma_wait3A_19 = arith.constant 0 : i32
      %dma_wait3A_20 = tpu.memref_slice %arg10[%mul3A_10, %dma_wait3A_19] : memref<10240x128xf32, #tpu.memory_space<vmem_shared>> -> memref<640x128xf32, #tpu.memory_space<vmem_shared>>
      tpu.wait_dma2 semaphore(%run_scoped3A : memref<!tpu.dma_semaphore, #tpu.memory_space<semaphore_mem>>) src(%dma_wait3A_20 : memref<640x128xf32, #tpu.memory_space<vmem_shared>>) dst(%dma_wait3A_18 : memref<640x128xf32, #tpu.memory_space<hbm>>)
      tpu.yield
    }) : () -> ()
    return
  }
}

module attributes {stable_mosaic.version = 14 : i64} {
  func.func @_layer_body(%arg0: i32, %arg1: memref<2000x128xf32, #tpu.memory_space<vmem>>, %arg2: memref<1x2000x128xf32, #tpu.memory_space<vmem>>, %arg3: memref<1x2000x128xf32, #tpu.memory_space<vmem>>, %arg4: memref<128x128xf32, #tpu.memory_space<vmem>>, %arg5: memref<1x128xf32, #tpu.memory_space<vmem>>, %arg6: memref<128x128xf32, #tpu.memory_space<vmem>>, %arg7: memref<1x128xf32, #tpu.memory_space<vmem>>, %arg8: memref<2000x128xf32, #tpu.memory_space<vmem>>) attributes {dimension_semantics = [#tpu.dimension_semantics<arbitrary>], iteration_bounds = array<i64: 5>, scalar_prefetch = 0 : i64, scratch_operands = 0 : i64, tpu.core_type = #tpu.core_type<tc>, window_params = [{transform_indices = @transform_0, window_bounds = array<i64: 2000, 128>}, {transform_indices = @transform_1, window_bounds = array<i64: 1, 2000, 128>}, {transform_indices = @transform_2, window_bounds = array<i64: 1, 2000, 128>}, {pipeline_mode = #tpu.pipeline_mode<synchronous>, transform_indices = @transform_3, window_bounds = array<i64: 128, 128>}, {pipeline_mode = #tpu.pipeline_mode<synchronous>, transform_indices = @transform_4, window_bounds = array<i64: 1, 128>}, {pipeline_mode = #tpu.pipeline_mode<synchronous>, transform_indices = @transform_5, window_bounds = array<i64: 128, 128>}, {pipeline_mode = #tpu.pipeline_mode<synchronous>, transform_indices = @transform_6, window_bounds = array<i64: 1, 128>}, {transform_indices = @transform_7, window_bounds = array<i64: 2000, 128>}]} {
    %get3A = arith.constant 0 : index
    %get3A_0 = arith.constant 0 : index
    %get3A_1 = vector.load %arg1[%get3A, %get3A_0] : memref<2000x128xf32, #tpu.memory_space<vmem>>, vector<2000x128xf32>
    %get3A_2 = arith.constant 0 : index
    %get3A_3 = arith.constant 0 : index
    %get3A_4 = arith.constant 0 : index
    %get3A_5 = vector.load %arg2[%get3A_2, %get3A_3, %get3A_4] : memref<1x2000x128xf32, #tpu.memory_space<vmem>>, vector<1x2000x128xf32>
    %get3A_6 = vector.shape_cast %get3A_5 : vector<1x2000x128xf32> to vector<2000x128xf32>
    %add3A = arith.addf %get3A_1, %get3A_6 : vector<2000x128xf32>
    %get3A_7 = arith.constant 0 : index
    %get3A_8 = arith.constant 0 : index
    %get3A_9 = arith.constant 0 : index
    %get3A_10 = vector.load %arg3[%get3A_7, %get3A_8, %get3A_9] : memref<1x2000x128xf32, #tpu.memory_space<vmem>>, vector<1x2000x128xf32>
    %get3A_11 = vector.shape_cast %get3A_10 : vector<1x2000x128xf32> to vector<2000x128xf32>
    %add3A_12 = arith.addf %add3A, %get3A_11 : vector<2000x128xf32>
    %get3A_13 = arith.constant 0 : index
    %get3A_14 = arith.constant 0 : index
    %get3A_15 = vector.load %arg4[%get3A_13, %get3A_14] : memref<128x128xf32, #tpu.memory_space<vmem>>, vector<128x128xf32>
    %dot_general3A = arith.constant dense<0.000000e+00> : vector<2000x128xf32>
    %dot_general3A_16 = tpu.matmul %add3A_12, %get3A_15, %dot_general3A {dimension_numbers = #tpu.dot_dimension_numbers<[1], [0], [0], [1], [0, 0, 1, 1], [], []>, transpose_lhs_hint = false} : vector<2000x128xf32>, vector<128x128xf32>, vector<2000x128xf32> -> vector<2000x128xf32>
    %get3A_17 = arith.constant 0 : index
    %get3A_18 = arith.constant 0 : index
    %get3A_19 = vector.load %arg5[%get3A_17, %get3A_18] : memref<1x128xf32, #tpu.memory_space<vmem>>, vector<1x128xf32>
    %add3A_20 = vector.broadcast %get3A_19 : vector<1x128xf32> to vector<2000x128xf32>
    %add3A_21 = arith.addf %dot_general3A_16, %add3A_20 : vector<2000x128xf32>
    %max3A = arith.constant 0.000000e+00 : f32
    %max3A_22 = vector.broadcast %max3A : f32 to vector<2000x128xf32>
    %max3A_23 = arith.maximumf %add3A_21, %max3A_22 : vector<2000x128xf32>
    %get3A_24 = arith.constant 0 : index
    %get3A_25 = arith.constant 0 : index
    %get3A_26 = vector.load %arg6[%get3A_24, %get3A_25] : memref<128x128xf32, #tpu.memory_space<vmem>>, vector<128x128xf32>
    %dot_general3A_27 = arith.constant dense<0.000000e+00> : vector<2000x128xf32>
    %dot_general3A_28 = tpu.matmul %max3A_23, %get3A_26, %dot_general3A_27 {dimension_numbers = #tpu.dot_dimension_numbers<[1], [0], [0], [1], [0, 0, 1, 1], [], []>, transpose_lhs_hint = false} : vector<2000x128xf32>, vector<128x128xf32>, vector<2000x128xf32> -> vector<2000x128xf32>
    %get3A_29 = arith.constant 0 : index
    %get3A_30 = arith.constant 0 : index
    %get3A_31 = vector.load %arg7[%get3A_29, %get3A_30] : memref<1x128xf32, #tpu.memory_space<vmem>>, vector<1x128xf32>
    %add3A_32 = vector.broadcast %get3A_31 : vector<1x128xf32> to vector<2000x128xf32>
    %add3A_33 = arith.addf %dot_general3A_28, %add3A_32 : vector<2000x128xf32>
    %max3A_34 = arith.constant 0.000000e+00 : f32
    %max3A_35 = vector.broadcast %max3A_34 : f32 to vector<2000x128xf32>
    %max3A_36 = arith.maximumf %add3A_33, %max3A_35 : vector<2000x128xf32>
    %swap3A = arith.constant 0 : index
    %swap3A_37 = arith.constant 0 : index
    %swap3A_38 = vector.load %arg8[%swap3A, %swap3A_37] : memref<2000x128xf32, #tpu.memory_space<vmem>>, vector<2000x128xf32>
    tpu.vector_store %arg8[%swap3A, %swap3A_37], %max3A_36 {strides = array<i32>} : memref<2000x128xf32, #tpu.memory_space<vmem>>, vector<2000x128xf32>,
    return
  }
  func.func @transform_0(%arg0: i32) -> (i32, i32) {
    %c0_i32 = arith.constant 0 : i32
    %c0_i32_0 = arith.constant 0 : i32
    return %arg0, %c0_i32 : i32, i32
  }
  func.func @transform_1(%arg0: i32) -> (i32, i32, i32) {
    %c0_i32 = arith.constant 0 : i32
    %c0_i32_0 = arith.constant 0 : i32
    %c0_i32_1 = arith.constant 0 : i32
    return %c0_i32, %arg0, %c0_i32_0 : i32, i32, i32
  }
  func.func @transform_2(%arg0: i32) -> (i32, i32, i32) {
    %c1_i32 = arith.constant 1 : i32
    %c0_i32 = arith.constant 0 : i32
    %c0_i32_0 = arith.constant 0 : i32
    return %c1_i32, %arg0, %c0_i32 : i32, i32, i32
  }
  func.func @transform_3(%arg0: i32) -> (i32, i32) {
    %c0_i32 = arith.constant 0 : i32
    %c0_i32_0 = arith.constant 0 : i32
    %c0_i32_1 = arith.constant 0 : i32
    return %c0_i32, %c0_i32_0 : i32, i32
  }
  func.func @transform_4(%arg0: i32) -> (i32, i32) {
    %c0_i32 = arith.constant 0 : i32
    %c0_i32_0 = arith.constant 0 : i32
    %c0_i32_1 = arith.constant 0 : i32
    return %c0_i32, %c0_i32_0 : i32, i32
  }
  func.func @transform_5(%arg0: i32) -> (i32, i32) {
    %c0_i32 = arith.constant 0 : i32
    %c0_i32_0 = arith.constant 0 : i32
    %c0_i32_1 = arith.constant 0 : i32
    return %c0_i32, %c0_i32_0 : i32, i32
  }
  func.func @transform_6(%arg0: i32) -> (i32, i32) {
    %c0_i32 = arith.constant 0 : i32
    %c0_i32_0 = arith.constant 0 : i32
    %c0_i32_1 = arith.constant 0 : i32
    return %c0_i32, %c0_i32_0 : i32, i32
  }
  func.func @transform_7(%arg0: i32) -> (i32, i32) {
    %c0_i32 = arith.constant 0 : i32
    %c0_i32_0 = arith.constant 0 : i32
    return %arg0, %c0_i32 : i32, i32
  }
}

module attributes {stable_mosaic.version = 14 : i64} {
  func.func @_final_body(%arg0: i32, %arg1: memref<2000x128xf32, #tpu.memory_space<vmem>>, %arg2: memref<1x2000x128xf32, #tpu.memory_space<vmem>>, %arg3: memref<1x2000x128xf32, #tpu.memory_space<vmem>>, %arg4: memref<128x128xf32, #tpu.memory_space<vmem>>, %arg5: memref<1x128xf32, #tpu.memory_space<vmem>>, %arg6: memref<128x128xf32, #tpu.memory_space<vmem>>, %arg7: memref<1x128xf32, #tpu.memory_space<vmem>>, %arg8: memref<128x128xf32, #tpu.memory_space<vmem>>, %arg9: memref<1x128xf32, #tpu.memory_space<vmem>>, %arg10: memref<2000x1xi32, #tpu.memory_space<vmem>>, %arg11: memref<64x128xf32, #tpu.memory_space<vmem>>, %arg12: memref<64x128xf32, #tpu.memory_space<vmem>>, %arg13: memref<64x128xf32, #tpu.memory_space<vmem>>) attributes {dimension_semantics = [#tpu.dimension_semantics<arbitrary>], iteration_bounds = array<i64: 5>, scalar_prefetch = 0 : i64, scratch_operands = 2 : i64, tpu.core_type = #tpu.core_type<tc>, window_params = [{transform_indices = @transform_0, window_bounds = array<i64: 2000, 128>}, {transform_indices = @transform_1, window_bounds = array<i64: 1, 2000, 128>}, {transform_indices = @transform_2, window_bounds = array<i64: 1, 2000, 128>}, {pipeline_mode = #tpu.pipeline_mode<synchronous>, transform_indices = @transform_3, window_bounds = array<i64: 128, 128>}, {pipeline_mode = #tpu.pipeline_mode<synchronous>, transform_indices = @transform_4, window_bounds = array<i64: 1, 128>}, {pipeline_mode = #tpu.pipeline_mode<synchronous>, transform_indices = @transform_5, window_bounds = array<i64: 128, 128>}, {pipeline_mode = #tpu.pipeline_mode<synchronous>, transform_indices = @transform_6, window_bounds = array<i64: 1, 128>}, {pipeline_mode = #tpu.pipeline_mode<synchronous>, transform_indices = @transform_7, window_bounds = array<i64: 128, 128>}, {pipeline_mode = #tpu.pipeline_mode<synchronous>, transform_indices = @transform_8, window_bounds = array<i64: 1, 128>}, {transform_indices = @transform_9, window_bounds = array<i64: 2000, 1>}, {pipeline_mode = #tpu.pipeline_mode<synchronous>, transform_indices = @transform_10, window_bounds = array<i64: 64, 128>}]} {
    %eq3A = arith.constant 0 : i32
    %eq3A_0 = arith.cmpi eq, %arg0, %eq3A : i32
    %convert_element_type3A = arith.extui %eq3A_0 : i1 to i32
    %cond3A = arith.constant 0 : i32
    %cond3A_1 = arith.cmpi ne, %convert_element_type3A, %cond3A : i32
    scf.if %cond3A_1 {
      %broadcast_in_dim3A_70 = arith.constant 0.000000e+00 : f32
      %broadcast_in_dim3A_71 = vector.broadcast %broadcast_in_dim3A_70 : f32 to vector<64x128xf32>
      %swap3A_72 = arith.constant 0 : index
      %swap3A_73 = arith.constant 0 : index
      %swap3A_74 = vector.load %arg12[%swap3A_72, %swap3A_73] : memref<64x128xf32, #tpu.memory_space<vmem>>, vector<64x128xf32>
      tpu.vector_store %arg12[%swap3A_72, %swap3A_73], %broadcast_in_dim3A_71 {strides = array<i32>} : memref<64x128xf32, #tpu.memory_space<vmem>>, vector<64x128xf32>,
      %broadcast_in_dim3A_75 = arith.constant 0.000000e+00 : f32
      %broadcast_in_dim3A_76 = vector.broadcast %broadcast_in_dim3A_75 : f32 to vector<64x128xf32>
      %swap3A_77 = arith.constant 0 : index
      %swap3A_78 = arith.constant 0 : index
      %swap3A_79 = vector.load %arg13[%swap3A_77, %swap3A_78] : memref<64x128xf32, #tpu.memory_space<vmem>>, vector<64x128xf32>
      tpu.vector_store %arg13[%swap3A_77, %swap3A_78], %broadcast_in_dim3A_76 {strides = array<i32>} : memref<64x128xf32, #tpu.memory_space<vmem>>, vector<64x128xf32>,
    } else {
    }
    %get3A = arith.constant 0 : index
    %get3A_2 = arith.constant 0 : index
    %get3A_3 = vector.load %arg1[%get3A, %get3A_2] : memref<2000x128xf32, #tpu.memory_space<vmem>>, vector<2000x128xf32>
    %get3A_4 = arith.constant 0 : index
    %get3A_5 = arith.constant 0 : index
    %get3A_6 = arith.constant 0 : index
    %get3A_7 = vector.load %arg2[%get3A_4, %get3A_5, %get3A_6] : memref<1x2000x128xf32, #tpu.memory_space<vmem>>, vector<1x2000x128xf32>
    %get3A_8 = vector.shape_cast %get3A_7 : vector<1x2000x128xf32> to vector<2000x128xf32>
    %add3A = arith.addf %get3A_3, %get3A_8 : vector<2000x128xf32>
    %get3A_9 = arith.constant 0 : index
    %get3A_10 = arith.constant 0 : index
    %get3A_11 = arith.constant 0 : index
    %get3A_12 = vector.load %arg3[%get3A_9, %get3A_10, %get3A_11] : memref<1x2000x128xf32, #tpu.memory_space<vmem>>, vector<1x2000x128xf32>
    %get3A_13 = vector.shape_cast %get3A_12 : vector<1x2000x128xf32> to vector<2000x128xf32>
    %add3A_14 = arith.addf %add3A, %get3A_13 : vector<2000x128xf32>
    %get3A_15 = arith.constant 0 : index
    %get3A_16 = arith.constant 0 : index
    %get3A_17 = vector.load %arg4[%get3A_15, %get3A_16] : memref<128x128xf32, #tpu.memory_space<vmem>>, vector<128x128xf32>
    %dot_general3A = arith.constant dense<0.000000e+00> : vector<2000x128xf32>
    %dot_general3A_18 = tpu.matmul %add3A_14, %get3A_17, %dot_general3A {dimension_numbers = #tpu.dot_dimension_numbers<[1], [0], [0], [1], [0, 0, 1, 1], [], []>, transpose_lhs_hint = false} : vector<2000x128xf32>, vector<128x128xf32>, vector<2000x128xf32> -> vector<2000x128xf32>
    %get3A_19 = arith.constant 0 : index
    %get3A_20 = arith.constant 0 : index
    %get3A_21 = vector.load %arg5[%get3A_19, %get3A_20] : memref<1x128xf32, #tpu.memory_space<vmem>>, vector<1x128xf32>
    %add3A_22 = vector.broadcast %get3A_21 : vector<1x128xf32> to vector<2000x128xf32>
    %add3A_23 = arith.addf %dot_general3A_18, %add3A_22 : vector<2000x128xf32>
    %max3A = arith.constant 0.000000e+00 : f32
    %max3A_24 = vector.broadcast %max3A : f32 to vector<2000x128xf32>
    %max3A_25 = arith.maximumf %add3A_23, %max3A_24 : vector<2000x128xf32>
    %get3A_26 = arith.constant 0 : index
    %get3A_27 = arith.constant 0 : index
    %get3A_28 = vector.load %arg6[%get3A_26, %get3A_27] : memref<128x128xf32, #tpu.memory_space<vmem>>, vector<128x128xf32>
    %dot_general3A_29 = arith.constant dense<0.000000e+00> : vector<2000x128xf32>
    %dot_general3A_30 = tpu.matmul %max3A_25, %get3A_28, %dot_general3A_29 {dimension_numbers = #tpu.dot_dimension_numbers<[1], [0], [0], [1], [0, 0, 1, 1], [], []>, transpose_lhs_hint = false} : vector<2000x128xf32>, vector<128x128xf32>, vector<2000x128xf32> -> vector<2000x128xf32>
    %get3A_31 = arith.constant 0 : index
    %get3A_32 = arith.constant 0 : index
    %get3A_33 = vector.load %arg7[%get3A_31, %get3A_32] : memref<1x128xf32, #tpu.memory_space<vmem>>, vector<1x128xf32>
    %add3A_34 = vector.broadcast %get3A_33 : vector<1x128xf32> to vector<2000x128xf32>
    %add3A_35 = arith.addf %dot_general3A_30, %add3A_34 : vector<2000x128xf32>
    %max3A_36 = arith.constant 0.000000e+00 : f32
    %max3A_37 = vector.broadcast %max3A_36 : f32 to vector<2000x128xf32>
    %max3A_38 = arith.maximumf %add3A_35, %max3A_37 : vector<2000x128xf32>
    %get3A_39 = arith.constant 0 : index
    %get3A_40 = arith.constant 0 : index
    %get3A_41 = vector.load %arg10[%get3A_39, %get3A_40] : memref<2000x1xi32, #tpu.memory_space<vmem>>, vector<2000x1xi32>
    %iota3A = tpu.iota {dimensions = array<i32: 1>} : vector<1x64xi32>
    %eq3A_42 = vector.broadcast %get3A_41 : vector<2000x1xi32> to vector<2000x64xi32>
    %eq3A_43 = vector.broadcast %iota3A : vector<1x64xi32> to vector<2000x64xi32>
    %eq3A_44 = arith.cmpi eq, %eq3A_42, %eq3A_43 : vector<2000x64xi32>
    %convert_element_type3A_45 = arith.extui %eq3A_44 : vector<2000x64xi1> to vector<2000x64xi32>
    %convert_element_type3A_46 = arith.sitofp %convert_element_type3A_45 : vector<2000x64xi32> to vector<2000x64xf32>
    %get3A_47 = arith.constant 0 : index
    %get3A_48 = arith.constant 0 : index
    %get3A_49 = vector.load %arg12[%get3A_47, %get3A_48] : memref<64x128xf32, #tpu.memory_space<vmem>>, vector<64x128xf32>
    %dot_general3A_50 = arith.constant dense<0.000000e+00> : vector<64x128xf32>
    %dot_general3A_51 = tpu.matmul %convert_element_type3A_46, %max3A_38, %dot_general3A_50 {dimension_numbers = #tpu.dot_dimension_numbers<[0], [0], [1], [1], [0, 1, 1, 1], [], []>, transpose_lhs_hint = false} : vector<2000x64xf32>, vector<2000x128xf32>, vector<64x128xf32> -> vector<64x128xf32>
    %add3A_52 = arith.addf %get3A_49, %dot_general3A_51 : vector<64x128xf32>
    %swap3A = arith.constant 0 : index
    %swap3A_53 = arith.constant 0 : index
    %swap3A_54 = vector.load %arg12[%swap3A, %swap3A_53] : memref<64x128xf32, #tpu.memory_space<vmem>>, vector<64x128xf32>
    tpu.vector_store %arg12[%swap3A, %swap3A_53], %add3A_52 {strides = array<i32>} : memref<64x128xf32, #tpu.memory_space<vmem>>, vector<64x128xf32>,
    %get3A_55 = arith.constant 0 : index
    %get3A_56 = arith.constant 0 : index
    %get3A_57 = vector.load %arg13[%get3A_55, %get3A_56] : memref<64x128xf32, #tpu.memory_space<vmem>>, vector<64x128xf32>
    %broadcast_in_dim3A = arith.constant 1.000000e+00 : f32
    %broadcast_in_dim3A_58 = vector.broadcast %broadcast_in_dim3A : f32 to vector<2000x128xf32>
    %dot_general3A_59 = arith.constant dense<0.000000e+00> : vector<64x128xf32>
    %dot_general3A_60 = tpu.matmul %convert_element_type3A_46, %broadcast_in_dim3A_58, %dot_general3A_59 {dimension_numbers = #tpu.dot_dimension_numbers<[0], [0], [1], [1], [0, 1, 1, 1], [], []>, transpose_lhs_hint = false} : vector<2000x64xf32>, vector<2000x128xf32>, vector<64x128xf32> -> vector<64x128xf32>
    %add3A_61 = arith.addf %get3A_57, %dot_general3A_60 : vector<64x128xf32>
    %swap3A_62 = arith.constant 0 : index
    %swap3A_63 = arith.constant 0 : index
    %swap3A_64 = vector.load %arg13[%swap3A_62, %swap3A_63] : memref<64x128xf32, #tpu.memory_space<vmem>>, vector<64x128xf32>
    tpu.vector_store %arg13[%swap3A_62, %swap3A_63], %add3A_61 {strides = array<i32>} : memref<64x128xf32, #tpu.memory_space<vmem>>, vector<64x128xf32>,
    %eq3A_65 = arith.constant 4 : i32
    %eq3A_66 = arith.cmpi eq, %arg0, %eq3A_65 : i32
    %convert_element_type3A_67 = arith.extui %eq3A_66 : i1 to i32
    %cond3A_68 = arith.constant 0 : i32
    %cond3A_69 = arith.cmpi ne, %convert_element_type3A_67, %cond3A_68 : i32
    scf.if %cond3A_69 {
      %get3A_70 = arith.constant 0 : index
      %get3A_71 = arith.constant 0 : index
      %get3A_72 = vector.load %arg12[%get3A_70, %get3A_71] : memref<64x128xf32, #tpu.memory_space<vmem>>, vector<64x128xf32>
      %get3A_73 = arith.constant 0 : index
      %get3A_74 = arith.constant 0 : index
      %get3A_75 = vector.load %arg13[%get3A_73, %get3A_74] : memref<64x128xf32, #tpu.memory_space<vmem>>, vector<64x128xf32>
      %max3A_76 = arith.constant 1.000000e+00 : f32
      %max3A_77 = vector.broadcast %max3A_76 : f32 to vector<64x128xf32>
      %max3A_78 = arith.maximumf %get3A_75, %max3A_77 : vector<64x128xf32>
      %div3A = arith.divf %get3A_72, %max3A_78 : vector<64x128xf32>
      %get3A_79 = arith.constant 0 : index
      %get3A_80 = arith.constant 0 : index
      %get3A_81 = vector.load %arg8[%get3A_79, %get3A_80] : memref<128x128xf32, #tpu.memory_space<vmem>>, vector<128x128xf32>
      %dot_general3A_82 = arith.constant dense<0.000000e+00> : vector<64x128xf32>
      %dot_general3A_83 = tpu.matmul %div3A, %get3A_81, %dot_general3A_82 {dimension_numbers = #tpu.dot_dimension_numbers<[1], [0], [0], [1], [0, 0, 1, 1], [], []>, transpose_lhs_hint = false} : vector<64x128xf32>, vector<128x128xf32>, vector<64x128xf32> -> vector<64x128xf32>
      %get3A_84 = arith.constant 0 : index
      %get3A_85 = arith.constant 0 : index
      %get3A_86 = vector.load %arg9[%get3A_84, %get3A_85] : memref<1x128xf32, #tpu.memory_space<vmem>>, vector<1x128xf32>
      %add3A_87 = vector.broadcast %get3A_86 : vector<1x128xf32> to vector<64x128xf32>
      %add3A_88 = arith.addf %dot_general3A_83, %add3A_87 : vector<64x128xf32>
      %swap3A_89 = arith.constant 0 : index
      %swap3A_90 = arith.constant 0 : index
      %swap3A_91 = vector.load %arg11[%swap3A_89, %swap3A_90] : memref<64x128xf32, #tpu.memory_space<vmem>>, vector<64x128xf32>
      tpu.vector_store %arg11[%swap3A_89, %swap3A_90], %add3A_88 {strides = array<i32>} : memref<64x128xf32, #tpu.memory_space<vmem>>, vector<64x128xf32>,
    } else {
    }
    return
  }
  func.func @transform_0(%arg0: i32) -> (i32, i32) {
    %c0_i32 = arith.constant 0 : i32
    %c0_i32_0 = arith.constant 0 : i32
    return %arg0, %c0_i32 : i32, i32
  }
  func.func @transform_1(%arg0: i32) -> (i32, i32, i32) {
    %c0_i32 = arith.constant 0 : i32
    %c0_i32_0 = arith.constant 0 : i32
    %c0_i32_1 = arith.constant 0 : i32
    return %c0_i32, %arg0, %c0_i32_0 : i32, i32, i32
  }
  func.func @transform_2(%arg0: i32) -> (i32, i32, i32) {
    %c1_i32 = arith.constant 1 : i32
    %c0_i32 = arith.constant 0 : i32
    %c0_i32_0 = arith.constant 0 : i32
    return %c1_i32, %arg0, %c0_i32 : i32, i32, i32
  }
  func.func @transform_3(%arg0: i32) -> (i32, i32) {
    %c0_i32 = arith.constant 0 : i32
    %c0_i32_0 = arith.constant 0 : i32
    %c0_i32_1 = arith.constant 0 : i32
    return %c0_i32, %c0_i32_0 : i32, i32
  }
  func.func @transform_4(%arg0: i32) -> (i32, i32) {
    %c0_i32 = arith.constant 0 : i32
    %c0_i32_0 = arith.constant 0 : i32
    %c0_i32_1 = arith.constant 0 : i32
    return %c0_i32, %c0_i32_0 : i32, i32
  }
  func.func @transform_5(%arg0: i32) -> (i32, i32) {
    %c0_i32 = arith.constant 0 : i32
    %c0_i32_0 = arith.constant 0 : i32
    %c0_i32_1 = arith.constant 0 : i32
    return %c0_i32, %c0_i32_0 : i32, i32
  }
  func.func @transform_6(%arg0: i32) -> (i32, i32) {
    %c0_i32 = arith.constant 0 : i32
    %c0_i32_0 = arith.constant 0 : i32
    %c0_i32_1 = arith.constant 0 : i32
    return %c0_i32, %c0_i32_0 : i32, i32
  }
  func.func @transform_7(%arg0: i32) -> (i32, i32) {
    %c0_i32 = arith.constant 0 : i32
    %c0_i32_0 = arith.constant 0 : i32
    %c0_i32_1 = arith.constant 0 : i32
    return %c0_i32, %c0_i32_0 : i32, i32
  }
  func.func @transform_8(%arg0: i32) -> (i32, i32) {
    %c0_i32 = arith.constant 0 : i32
    %c0_i32_0 = arith.constant 0 : i32
    %c0_i32_1 = arith.constant 0 : i32
    return %c0_i32, %c0_i32_0 : i32, i32
  }
  func.func @transform_9(%arg0: i32) -> (i32, i32) {
    %c0_i32 = arith.constant 0 : i32
    %c0_i32_0 = arith.constant 0 : i32
    return %arg0, %c0_i32 : i32, i32
  }
  func.func @transform_10(%arg0: i32) -> (i32, i32) {
    %c0_i32 = arith.constant 0 : i32
    %c0_i32_0 = arith.constant 0 : i32
    %c0_i32_1 = arith.constant 0 : i32
    return %c0_i32, %c0_i32_0 : i32, i32
  }
}

</mosaic_0001>

<sc_bundles>
// kernel: kernel.11.cloned.1.call-start
scs
__scs_entry_jumppad:
0x0: {  	(pc) =	sbr.rel $0x88, $3  }
0x1: {  	(tag) =	ssettag $0x0;
	lr =	simm.s32 $0x1  }
0x2: {  	[smem:$0x3F90] =	sst lr;
	_ =	strace $0xD0000000  }
0x3: {  	_ = 	snop  }
0x4: {  	_ = 	snop  }
0x5: {  	_ = 	snop  }
0x6: {  	_ = 	snop  }
0x7: {  	_ = 	snop  }
__scs_overlays_trampoline_lowered:
0x8: {  	[smem:$0x3F9F] =	sst s0  }
0x9: {  	[smem:$0x3FA0] =	sst s1  }
0xa: {  	[smem:$0x3FA1] =	sst s2  }
0xb: {  	[smem:$0x3FA2] =	sst s3  }
0xc: {  	[smem:$0x3FA3] =	sst s4  }
0xd: {  	[smem:$0x3FA4] =	sst s5  }
0xe: {  	[smem:$0x3FA5] =	sst s6  }
0xf: {  	[smem:$0x3FA6] =	sst s7  }
0x10: {  	[smem:$0x3FA7] =	sst s8  }
0x11: {  	[smem:$0x3FA8] =	sst s9;
	s0 =	simm.s32 @!p0 $0x0  }
0x12: {  	s1 =	sld [smem:$0x3F8E];
	s0 =	simm.s32 @p0 $0x1  }
0x13: {  	[smem:$0x3FA9] =	sst s0;
	s0 =	simm.s32 @!p1 $0x0  }
0x14: {  	s2 =	sld [smem:$0x3F8D];
	s0 =	simm.s32 @p1 $0x1  }
0x15: {  	[smem:$0x3FAA] =	sst s0;
	s0 =	simm.s32 @!p2 $0x0  }
0x16: {  	s3 =	sld [smem:$0x3FDB];
	s0 =	simm.s32 @p2 $0x1  }
0x17: {  	s4 =	simm.s32 $0x1BF5;
	[smem:$0x3FAC] =	sst s0  }
0x18: {  	s0 =	sld [smem:$0x3F8F];
	_ =	swait.ge [sflag:s4], $0x0  }
0x19: {  	s7 =	sld [smem:$0x3F90]  }
0x1a: {  	s8 =	sadd.s32 $0xFFFFE003, lr  }
0x1b: {  	s9 =	sadd.s32 $0xFFFFFEF7, lr;
	s5 =	simm.s32 $0xFFFFFFFF;
	p2 =	slt.u32 s8, $0xFFFFF086  }
0x1c: {  	p1 =	slt.u32 s9, $0xF7A;
	s5 =	simm.s32 @!p2 $0x0  }
0x1d: {  	s5 =	simm.s32 @p1 $0x1;
	p0 =	seq.s32 s7, s2  }
0x1e: {  	s7 =	smul.u32 @!p0 $0xF7A, s2;
	p2 =	seq.s32 @!p0 s5, $0x0  }
0x1f: {  	s9 =	smul.u32 $0xF7A, s1;
	s8 =	simm.s32 @!p0 $0x1BF5;
	p2 =	por !p2, p0  }
0x20: {  	[sflag:s8] =	ssyncset.s32 @!p0 $0xFFFFF086;
	s6 =	sadd.s32 @!p0 s3, s7;
	s7 =	simm.s32 @!p0 $0x108  }
0x21: {  	s3 =	sadd.s32 s3, s9;
	s6 =	sadd.s32 @!p0 $0x88, s6;
	s7 =	simm.s32 @p2 $0x1082  }
0x22: {  	[simem:s7], [sflag:s8] =	dma.local @!p0 [hbm:s6], $0xF7A  }
0x23: {  	s9 =	sor.u32 $0xD0000000, s2;
	s6 =	simm.s32 $0x108;
	_ =	swait.ge @!p0 [sflag:s8], $0x0  }
0x24: {  	s3 =	sadd.s32 $0x88, s3;
	s6 =	simm.s32 @!p1 $0x1082;
	[sflag:s4] =	ssyncset.s32 $0xFFFFF086  }
0x25: {  	[simem:s6], [sflag:s4] =	dma.local [hbm:s3], $0xF7A  }
0x26: {  	[smem:$0x3F90] =	sst s1;
	(tag) =	ssettag s2;
	_ =	strace s9  }
0x27: {  	s1 =	sld [smem:$0x3FA0]  }
0x28: {  	s2 =	sld [smem:$0x3FA1]  }
0x29: {  	s4 =	sld [smem:$0x3FA3]  }
0x2a: {  	p0 =	seq.s32 s5, $0x0;
	s5 =	sld [smem:$0x3FA4]  }
0x2b: {  	s6 =	sld [smem:$0x3FA5]  }
0x2c: {  	s7 =	sld [smem:$0x3FA6]  }
0x2d: {  	s3 =	simm.s32 $0x108;
	s8 =	sld [smem:$0x3FA7]  }
0x2e: {  	s3 =	simm.s32 @!p0 $0x1082;
	s9 =	sld [smem:$0x3FA8]  }
0x2f: {  	lr =	sadd.s32 s0, s3;
	s0 =	sld [smem:$0x3F9F]  }
0x30: {  	s3 =	sld [smem:$0x3FA2]  }
0x31: {  	[smem:$0x3FAB] =	sst s10  }
0x32: {  	s10 =	sld [smem:$0x3FA9];
	_ =	sdelay $0x3  }
0x33: {  	p0 =	seq.s32 s10, $0x1;
	s10 =	sld [smem:$0x3FAB];
	_ =	sdelay $0x3  }
0x34: {  	[smem:$0x3FAB] =	sst s10  }
0x35: {  	s10 =	sld [smem:$0x3FAA];
	_ =	sdelay $0x3  }
0x36: {  	p1 =	seq.s32 s10, $0x1;
	s10 =	sld [smem:$0x3FAB];
	_ =	sdelay $0x3  }
0x37: {  	[smem:$0x3FAB] =	sst s10  }
0x38: {  	s10 =	sld [smem:$0x3FAC]  }
0x39: {  	_ = 	snop;
	(pc) =	sbr.ind lr, $3  }
0x3a: {  	_ = 	snop  }
0x3b: {  	_ = 	snop  }
0x3c: {  	p2 =	seq.s32 s10, $0x1;
	s10 =	sld [smem:$0x3FAB]  }
0x3d: {  	_ =	shalt  }
0x3e: {  	_ =	shalt  }
0x3f: {  	_ =	shalt  }
0x40: {  	_ =	shalt  }
0x41: {  	_ =	shalt  }
0x42: {  	_ =	shalt  }
0x43: {  	_ =	shalt  }
0x44: {  	_ =	shalt  }
0x45: {  	_ =	shalt  }
0x46: {  	_ =	shalt  }
0x47: {  	_ =	shalt  }
0x48: {  	_ =	shalt  }
0x49: {  	_ =	shalt  }
0x4a: {  	_ =	shalt  }
0x4b: {  	_ =	shalt  }
0x4c: {  	_ =	shalt  }
0x4d: {  	_ =	shalt  }
0x4e: {  	_ =	shalt  }
0x4f: {  	_ =	shalt  }
0x50: {  	_ =	shalt  }
0x51: {  	_ =	shalt  }
0x52: {  	_ =	shalt  }
0x53: {  	_ =	shalt  }
0x54: {  	_ =	shalt  }
0x55: {  	_ =	shalt  }
0x56: {  	_ =	shalt  }
0x57: {  	_ =	shalt  }
0x58: {  	_ =	shalt  }
0x59: {  	_ =	shalt  }
0x5a: {  	_ =	shalt  }
0x5b: {  	_ =	shalt  }
0x5c: {  	_ =	shalt  }
0x5d: {  	_ =	shalt  }
0x5e: {  	_ =	shalt  }
0x5f: {  	_ =	shalt  }
0x60: {  	_ =	shalt  }
0x61: {  	_ =	shalt  }
0x62: {  	_ =	shalt  }
0x63: {  	_ =	shalt  }
0x64: {  	_ =	shalt  }
0x65: {  	_ =	shalt  }
0x66: {  	_ =	shalt  }
0x67: {  	_ =	shalt  }
0x68: {  	_ =	shalt  }
0x69: {  	_ =	shalt  }
0x6a: {  	_ =	shalt  }
0x6b: {  	_ =	shalt  }
0x6c: {  	_ =	shalt  }
0x6d: {  	_ =	shalt  }
0x6e: {  	_ =	shalt  }
0x6f: {  	_ =	shalt  }
0x70: {  	_ =	shalt  }
0x71: {  	_ =	shalt  }
0x72: {  	_ =	shalt  }
0x73: {  	_ =	shalt  }
0x74: {  	_ =	shalt  }
0x75: {  	_ =	shalt  }
0x76: {  	_ =	shalt  }
0x77: {  	_ =	shalt  }
0x78: {  	_ =	shalt  }
0x79: {  	_ =	shalt  }
0x7a: {  	_ =	shalt  }
0x7b: {  	_ =	shalt  }
0x7c: {  	_ =	shalt  }
0x7d: {  	_ =	shalt  }
0x7e: {  	_ =	shalt  }
0x7f: {  	_ =	shalt  }
0x80: {  	_ =	shalt  }
0x81: {  	_ =	shalt  }
0x82: {  	_ =	shalt  }
0x83: {  	_ =	shalt  }
0x84: {  	_ =	shalt  }
0x85: {  	_ =	shalt  }
0x86: {  	_ =	shalt  }
0x87: {  	_ =	shalt  }
.Lfunc_end0:
.L_simem_size_0:
called_computation.1_lowered:
.L_overlay_start_0:
0x88: {  	s2 =	sld [smem:$0x3FD9]  }
0x89: {  	s3 =	sld [smem:$0x3FFE];
	_ =	sdelay $0x1  }
0x8a: {  	s1 =	srdreg.scid  }
0x8b: {  	s0 =	sand.u32 $0x1, s1  }
0x8c: {  	s16 =	sshll.u32 s0, $0xA;
	s2 =	sadd.s32 s3, s2  }
0x8d: {  	s2 =	sadd.s32 s2, s16  }
0x8e: {  	[smem:$0x3FB7] =	sst s2  }
0x8f: {  	_ = 	snop  }
0x90: {  	(tm) =	ssettm $0x1  }
0x91: {  	s17 =	sld [smem:$0x3FFB];
	_ =	sdelay $0x3  }
0x92: {  	_ =	strace s17  }
0x93: {  	s2 =	sld [smem:$0x3FFC];
	_ =	sdelay $0x3  }
0x94: {  	_ =	strace s2  }
0x95: {  	s2 =	sld [smem:$0x3FFD];
	_ =	sdelay $0x3  }
0x96: {  	_ =	strace s2  }
0x97: {  	_ =	strace $0x8FFFFFFF  }
0x98: {  	s18 =	sld [smem:$0x3FDB];
	_ =	sdelay $0x1  }
0x99: {  	s19 =	simm.s32 $_scs_section_size  }
0x9a: {  	s4 =	simm.s32 $_size__tile_overlayer_lowered;
	s5 =	simm.s32 $_tile_overlayer_lowered  }
0x9b: {  	s22 =	simm.s32 $0x1BFF;
	s21 =	sshll.u32 s5, $0x1;
	s2 =	sadd.s32 s19, s18  }
0x9c: {  	s6 =	simm.s32 $0x0;
	s20 =	sshll.u32 s4, $0x1;
	s4 =	sadd.s32 s21, s2  }
0x9d: {  	[timem:s6], [sflag:s22] =	dma.local [hbm:s4], s20  }
0x9e: {  	_ =	swait.ge [sflag:s22], s20  }
0x9f: {  	s3 =	ssub.s32 $0x0, s20;
	[sflag:s22] =	ssyncset.done $0x0  }
0xa0: {  	[sflag:s22] =	ssyncadd.s32 s3;
	_ =	sdelay $0x1  }
0xa1: {  	s23 =	simm.s32 $0x1B8B  }
0xa2: {  	_ =	swait.ge [sflag:s23], $0x1  }
0xa3: {  	[sflag:s23] =	ssyncset.done $0x0  }
0xa4: {  	s25 =	simm.s32 $0x1B8E;
	s24 =	sld [smem:$0x3FFE];
	[sflag:s23] =	ssyncadd.s32 $0xFFFFFFFF  }
0xa5: {  	s26 =	simm.s32 $execute0_lowered;
	[smem:$0x3FD2] =	sst s25  }
0xa6: {  	s4 =	sshll.u32 s26, $0x1;
	_ =	strace $0x80000049;
	[dreg:$0x1] =	wrdreg $0xFFFFFFFF  }
0xa7: {  	s28 =	simm.s32 $_size_execute0_lowered;
	s2 =	sadd.s32 s2, s4;
	[dreg:$0x0] =	wrdreg $0x0  }
0xa8: {  	s4 =	sshll.u32 s28, $0x1;
	[dreg:$0x2] =	wrdreg s2  }
0xa9: {  	[dreg:$0x3] =	wrdreg s4  }
0xaa: {  	[dreg:$0x4] =	wrdreg $0xC0  }
0xab: {  	_ =	task [dreg:s6], $0x5FFFF  }
0xac: {  	[dreg:$0x1] =	wrdreg $0xFFFFFFFF  }
0xad: {  	[dreg:$0x0] =	wrdreg $0x60  }
0xae: {  	[dreg:$0x2] =	wrdreg s24  }
0xaf: {  	[dreg:$0x3] =	wrdreg $0x90000  }
0xb0: {  	[dreg:$0x4] =	wrdreg $0x9  }
0xb1: {  	_ =	task.clear_ibuf [dreg:s6], $0x5FFFF;
	_ =	strace $0x90000049  }
0xb2: {  	s29 =	simm.s32 $0x9;
	_ =	strace $0x8000004B  }
0xb3: {  	_ =	swait.ge [sflag:s29], $0x1  }
0xb4: {  	[sflag:s29] =	ssyncadd.s32 $0xFFFFFFFF  }
0xb5: {  	_ =	strace $0x9000004B  }
0xb6: {  	_ =	sfence  }
0xb7: {  	s30 =	sld [smem:$0x0];
	_ =	sdelay $0x2  }
0xb8: {  	s31 =	sshll.u32 s1, $0xD;
	s1 =	sshrl.u32 s1, $0x2  }
0xb9: {  	s3 =	sand.u32 $0x4000, s31;
	s1 =	sadd.s32 s1, s30  }
0xba: {  	s0 =	sor.u32 s3, s0;
	s1 =	sshll.u32 s1, $0x11  }
0xbb: {  	s0 =	sor.u32 s1, s0  }
0xbc: {  	s0 =	sadd.s32 $0x8F2B, s0  }
0xbd: {  	[sflag:s0] =	ssyncadd.remote.s32 $0x1  }
0xbe: {  	_ =	sfence.sel $0xFFFF  }
0xbf: {  	[dreg:$0x0] =	wrdreg $0xFFFFFFFF;
	(pc) =	sbr.abs _section_cstart, $3  }
0xc0: {  	[dreg:$0x1] =	wrdreg $0xFFFFFFFF  }
0xc1: {  	_ =	task.clear_ibuf [dreg:s6], $0x2FFFF;
	_ =	strace $0x9FFFFFFF  }
0xc2: {  	(tm) =	ssettm $0x7FFFFFFF  }
0xc3: {  	_ =	shalt  }
tec
execute0_lowered:
.L_overlay_start_1:
0x0: {  	(tag) =	ssettag $0x1  }
0x1: {  	s7 =	rddreg [dreg:$0x0]  }
0x2: {  	s0 =	srdreg.scid;
	s2 =	rddreg [dreg:$0x1]  }
0x3: {  	s3 =	simm.s32 $0x0;
	s14 =	simm.s32 $0x80;
	s15 =	simm.s32 $0x5000  }
0x4: {  	s16 =	simm.s32 $0x1;
	s6 =	sand.u32 $0x1, s0;
	s0 =	stileid.u32  }
0x5: {  	s17 =	simm.s32 $0x0;
	[smem:$0x7FF] =	sst s3;
	s8 =	smul.u32 $0x140000, s6  }
0x6: {  	s4 =	sadd.s32 $0x1A000, s7;
	s1 =	sshll.u32 s6, $0x4;
	s9 =	smul.u32 $0x14000, s0  }
0x7: {  	s28 =	smul.u32 $0x50000, s0;
	s6 =	ssub.s32 $0x2, s6;
	s1 =	sor.u32 s0, s1  }
0x8: {  	s31 =	sshll.u32 s0, $0x6;
	s29 =	sshrl.u32 s6, $0x1;
	s5 =	smul.u32 $0x500, s1  }
0x9: {  	s1 =	rddreg [dreg:$0x2];
	_ =	strace $0x8000004A;
	s8 =	sadd.s32 s9, s8  }
0xa: {  	s30 =	sshrl.u32 s28, $0x2;
	s12 =	ssub.s32 s6, s29;
	s6 =	sor.u32 $0x1C02, s31  }
0xb: {  	s8 =	sshrl.u32 s8, $0x3;
	s13 =	sadd.s32 s30, s2;
	s10 =	sadd.s32 s5, s7  }
0xc: {  	s5 =	sadd.s32 $0x17800, s7;
	s11 =	sadd.s32 s8, s7;
	s7 =	sadd.s32 $0xD800, s10  }
0xd: {  	s8 =	sadd.s32 $0x3800, s10;
	s9 =	sadd.s32 $0x41200, s11;
	s10 =	smax.u32 s12, $0x1  }
0xe: {  	s11 =	sshrl.u32 s13, $0x3;
	s12 =	simm.s32 $0x2;
	s13 =	simm.s32 $0x2800  }
.LBB2_1:
0xf: {  	[spmem:s11], [sflag:s6] =	dma.local [hbm:s5], $0x2800  }
0x10: {  	_ =	swait.ge [sflag:s12], $0x2800  }
0x11: {  	[sflag:s12] =	ssyncset.done $0x0  }
0x12: {  	[sflag:s12] =	ssyncadd.s32 $0xFFFFD800  }
0x13: {  	[tilespmem:s3], [sflag:$0x2] =	stream.linear.gather [hbm4b:s7+s3], $0x2780, $0x38;
	[tilespmem:$0x1D000] =	vst v63  }
0x14: {  	_ =	swait.ge [sflag:s12], $0x2780  }
0x15: {  	[sflag:s12] =	ssyncset.done $0x0  }
0x16: {  	[sflag:s12] =	ssyncadd.s32 $0xFFFFD880  }
0x17: {  	[tilespmem:s13], [sflag:$0x2] =	stream.linear.gather [hbm4b:s8+s3], $0x2780, $0x38;
	[tilespmem:$0x1D000] =	vst v63  }
0x18: {  	_ =	swait.ge [sflag:s12], $0x2780  }
0x19: {  	[sflag:s12] =	ssyncset.done $0x0  }
0x1a: {  	[sflag:s12] =	ssyncadd.s32 $0xFFFFD880  }
0x1b: {  	s18 =	simm.s32 $0x0;
	[bflag:$0x0] =	sbarrier.arrive $0xFFFF  }
0x1c: {  	[tilespmem:s15], [sflag:$0x1] =	stream.indirect.gather [hbm4b:s4+s14], $0x80, s18, s14, $0xb8;
	[tilespmem:$0x1D000] =	vst v63  }
0x1d: {  	_ =	swait.ge [sflag:s16], $0x4000  }
0x1e: {  	[sflag:s16] =	ssyncset.done $0x0  }
0x1f: {  	s31 =	simm.s32 $0x2800;
	[sflag:s16] =	ssyncadd.s32 $0xFFFFC000  }
0x20: {  	[spmem:s2] =	stream.indirect.scatter.add.f32 [tilespmem:s15], [sflag:$0x2], $0x80, s31, s14, $0xb8;
	[tilespmem:$0x1D000] =	vst v63  }
0x21: {  	_ =	swait.ge [sflag:s12], $0x4000  }
0x22: {  	s19 =	simm.s32 $0x400;
	s18 =	simm.s32 $0x200;
	[sflag:s12] =	ssyncset.done $0x0  }
.LBB2_2:
0x23: {  	s20 =	sshra.s32 s18, $0x2  }
0x24: {  	[sflag:s12] =	ssyncadd.s32 $0xFFFFC000;
	s18 =	smov.u32 s19;
	s21 =	sadd.s32 $0x200, s19  }
0x25: {  	[tilespmem:s15], [sflag:$0x1] =	stream.indirect.gather [hbm4b:s4+s14], $0x80, s20, s14, $0xb8;
	[tilespmem:$0x1D000] =	vst v63  }
0x26: {  	p0 =	sne.s32 s19, $0x9C00;
	_ =	swait.ge [sflag:s16], $0x4000  }
.Ltmp0:
0x27: {  	[sflag:s16] =	ssyncset.done $0x0;
	(pc) =	sbr.rel @p0 .LBB2_2-.Ltmp0, $4  }
0x28: {  	s19 =	sadd.s32 $0x2800, s20;
	[sflag:s16] =	ssyncadd.s32 $0xFFFFC000  }
0x29: {  	[spmem:s2] =	stream.indirect.scatter.add.f32 [tilespmem:s15], [sflag:$0x2], $0x80, s19, s14, $0xb8;
	[tilespmem:$0x1D000] =	vst v63  }
0x2a: {  	_ =	swait.ge [sflag:s12], $0x4000  }
0x2b: {  	s19 =	smov.u32 s21;
	[sflag:s12] =	ssyncset.done $0x0  }
0x2c: {  	s18 =	sshra.s32 s18, $0x2;
	[sflag:s12] =	ssyncadd.s32 $0xFFFFC000  }
0x2d: {  	[tilespmem:s15], [sflag:$0x1] =	stream.indirect.gather [hbm4b:s4+s14], $0x80, s18, s14, $0xb8;
	[tilespmem:$0x1D000] =	vst v63  }
0x2e: {  	_ =	swait.ge [sflag:s16], $0x4000  }
0x2f: {  	[sflag:s16] =	ssyncset.done $0x0  }
0x30: {  	s18 =	sadd.s32 $0x2800, s18;
	[sflag:s16] =	ssyncadd.s32 $0xFFFFC000  }
0x31: {  	[spmem:s2] =	stream.indirect.scatter.add.f32 [tilespmem:s15], [sflag:$0x2], $0x80, s18, s14, $0xb8;
	[tilespmem:$0x1D000] =	vst v63  }
0x32: {  	_ =	swait.ge [sflag:s12], $0x4000  }
0x33: {  	s17 =	sadd.s32 $0x1, s17;
	[sflag:s12] =	ssyncset.done $0x0  }
0x34: {  	p0 =	sne.s32 s17, s10;
	[sflag:s12] =	ssyncadd.s32 $0xFFFFC000  }
.Ltmp1:
0x35: {  	[bflag:$0x0] =	sbarrier.arrive $0xFFFF;
	(pc) =	sbr.rel @p0 .LBB2_1-.Ltmp1, $4  }
0x36: {  	[hbm:s9], [sflag:s6] =	dma.local [spmem:s11], $0x2800  }
0x37: {  	_ =	swait.ge [sflag:s12], $0x2800  }
0x38: {  	[sflag:s12] =	ssyncset.done $0x0  }
0x39: {  	[sflag:s12] =	ssyncadd.s32 $0xFFFFD800  }
0x3a: {  	_ =	sfence.sel $0x180000  }
0x3b: {  	[bflag:$0x0] =	sbarrier.arrive $0xFFFF  }
0x3c: {  	p0 =	sne.s32 s0, $0x0;
	_ =	strace $0x9000004A  }
0x3d: {  	s0 =	sadd.s32 @!p0 $0x100000, s1;
	[bflag:$0x2] =	sbarrier.arrive $0xFFFF  }
0x3e: {  	[sflag:s0] =	ssyncadd.tile.s32 @!p0 $0x1;
	_ =	shalt  }
.Lfunc_end2:
_tile_overlayer_lowered:
.L_overlay_start_2:
0x3f: {  	(tag) =	ssettag $0x2  }
0x40: {  	s0 =	rddreg [dreg:$0x0];
	s2 =	stileid.u32  }
0x41: {  	s1 =	rddreg [dreg:$0x1];
	p0 =	sne.s32 s2, $0x0  }
0x42: {  	s3 =	rddreg [dreg:$0x2];
	[bflag:$0x3] =	sbarrier.arrive $0xFFFF;
	s2 =	simm.s32 @!p0 $0x1C02  }
0x43: {  	[timem:s3], [sflag:s2] =	dma.local @!p0 [hbm:s0], s1  }
0x44: {  	s0 =	simm.s32 @!p0 $0x2  }
0x45: {  	_ =	swait.ge @!p0 [sflag:s0], s1  }
0x46: {  	s1 =	ssub.s32 @!p0 $0x0, s1;
	[sflag:s0] =	ssyncset.done @!p0 $0x0  }
0x47: {  	[sflag:s0] =	ssyncadd.s32 @!p0 s1  }
0x48: {  	[bflag:$0x3] =	sbarrier.arrive $0xFFFF  }
0x49: {  	_ =	shalt  }

// kernel: kernel.14.cloned.1.call-start
scs
__scs_entry_jumppad:
0x0: {  	(pc) =	sbr.rel $0x88, $3  }
0x1: {  	(tag) =	ssettag $0x0;
	lr =	simm.s32 $0x1  }
0x2: {  	[smem:$0x3F90] =	sst lr;
	_ =	strace $0xD0000000  }
0x3: {  	_ = 	snop  }
0x4: {  	_ = 	snop  }
0x5: {  	_ = 	snop  }
0x6: {  	_ = 	snop  }
0x7: {  	_ = 	snop  }
__scs_overlays_trampoline_lowered:
0x8: {  	[smem:$0x3F9F] =	sst s0  }
0x9: {  	[smem:$0x3FA0] =	sst s1  }
0xa: {  	[smem:$0x3FA1] =	sst s2  }
0xb: {  	[smem:$0x3FA2] =	sst s3  }
0xc: {  	[smem:$0x3FA3] =	sst s4  }
0xd: {  	[smem:$0x3FA4] =	sst s5  }
0xe: {  	[smem:$0x3FA5] =	sst s6  }
0xf: {  	[smem:$0x3FA6] =	sst s7  }
0x10: {  	[smem:$0x3FA7] =	sst s8  }
0x11: {  	[smem:$0x3FA8] =	sst s9;
	s0 =	simm.s32 @!p0 $0x0  }
0x12: {  	s1 =	sld [smem:$0x3F8E];
	s0 =	simm.s32 @p0 $0x1  }
0x13: {  	[smem:$0x3FA9] =	sst s0;
	s0 =	simm.s32 @!p1 $0x0  }
0x14: {  	s2 =	sld [smem:$0x3F8D];
	s0 =	simm.s32 @p1 $0x1  }
0x15: {  	[smem:$0x3FAA] =	sst s0;
	s0 =	simm.s32 @!p2 $0x0  }
0x16: {  	s3 =	sld [smem:$0x3FDB];
	s0 =	simm.s32 @p2 $0x1  }
0x17: {  	s4 =	simm.s32 $0x1BF5;
	[smem:$0x3FAC] =	sst s0  }
0x18: {  	s0 =	sld [smem:$0x3F8F];
	_ =	swait.ge [sflag:s4], $0x0  }
0x19: {  	s7 =	sld [smem:$0x3F90]  }
0x1a: {  	s8 =	sadd.s32 $0xFFFFE003, lr  }
0x1b: {  	s9 =	sadd.s32 $0xFFFFFEF7, lr;
	s5 =	simm.s32 $0xFFFFFFFF;
	p2 =	slt.u32 s8, $0xFFFFF086  }
0x1c: {  	p1 =	slt.u32 s9, $0xF7A;
	s5 =	simm.s32 @!p2 $0x0  }
0x1d: {  	s5 =	simm.s32 @p1 $0x1;
	p0 =	seq.s32 s7, s2  }
0x1e: {  	s7 =	smul.u32 @!p0 $0xF7A, s2;
	p2 =	seq.s32 @!p0 s5, $0x0  }
0x1f: {  	s9 =	smul.u32 $0xF7A, s1;
	s8 =	simm.s32 @!p0 $0x1BF5;
	p2 =	por !p2, p0  }
0x20: {  	[sflag:s8] =	ssyncset.s32 @!p0 $0xFFFFF086;
	s6 =	sadd.s32 @!p0 s3, s7;
	s7 =	simm.s32 @!p0 $0x108  }
0x21: {  	s3 =	sadd.s32 s3, s9;
	s6 =	sadd.s32 @!p0 $0x88, s6;
	s7 =	simm.s32 @p2 $0x1082  }
0x22: {  	[simem:s7], [sflag:s8] =	dma.local @!p0 [hbm:s6], $0xF7A  }
0x23: {  	s9 =	sor.u32 $0xD0000000, s2;
	s6 =	simm.s32 $0x108;
	_ =	swait.ge @!p0 [sflag:s8], $0x0  }
0x24: {  	s3 =	sadd.s32 $0x88, s3;
	s6 =	simm.s32 @!p1 $0x1082;
	[sflag:s4] =	ssyncset.s32 $0xFFFFF086  }
0x25: {  	[simem:s6], [sflag:s4] =	dma.local [hbm:s3], $0xF7A  }
0x26: {  	[smem:$0x3F90] =	sst s1;
	(tag) =	ssettag s2;
	_ =	strace s9  }
0x27: {  	s1 =	sld [smem:$0x3FA0]  }
0x28: {  	s2 =	sld [smem:$0x3FA1]  }
0x29: {  	s4 =	sld [smem:$0x3FA3]  }
0x2a: {  	p0 =	seq.s32 s5, $0x0;
	s5 =	sld [smem:$0x3FA4]  }
0x2b: {  	s6 =	sld [smem:$0x3FA5]  }
0x2c: {  	s7 =	sld [smem:$0x3FA6]  }
0x2d: {  	s3 =	simm.s32 $0x108;
	s8 =	sld [smem:$0x3FA7]  }
0x2e: {  	s3 =	simm.s32 @!p0 $0x1082;
	s9 =	sld [smem:$0x3FA8]  }
0x2f: {  	lr =	sadd.s32 s0, s3;
	s0 =	sld [smem:$0x3F9F]  }
0x30: {  	s3 =	sld [smem:$0x3FA2]  }
0x31: {  	[smem:$0x3FAB] =	sst s10  }
0x32: {  	s10 =	sld [smem:$0x3FA9];
	_ =	sdelay $0x3  }
0x33: {  	p0 =	seq.s32 s10, $0x1;
	s10 =	sld [smem:$0x3FAB];
	_ =	sdelay $0x3  }
0x34: {  	[smem:$0x3FAB] =	sst s10  }
0x35: {  	s10 =	sld [smem:$0x3FAA];
	_ =	sdelay $0x3  }
0x36: {  	p1 =	seq.s32 s10, $0x1;
	s10 =	sld [smem:$0x3FAB];
	_ =	sdelay $0x3  }
0x37: {  	[smem:$0x3FAB] =	sst s10  }
0x38: {  	s10 =	sld [smem:$0x3FAC]  }
0x39: {  	_ = 	snop;
	(pc) =	sbr.ind lr, $3  }
0x3a: {  	_ = 	snop  }
0x3b: {  	_ = 	snop  }
0x3c: {  	p2 =	seq.s32 s10, $0x1;
	s10 =	sld [smem:$0x3FAB]  }
0x3d: {  	_ =	shalt  }
0x3e: {  	_ =	shalt  }
0x3f: {  	_ =	shalt  }
0x40: {  	_ =	shalt  }
0x41: {  	_ =	shalt  }
0x42: {  	_ =	shalt  }
0x43: {  	_ =	shalt  }
0x44: {  	_ =	shalt  }
0x45: {  	_ =	shalt  }
0x46: {  	_ =	shalt  }
0x47: {  	_ =	shalt  }
0x48: {  	_ =	shalt  }
0x49: {  	_ =	shalt  }
0x4a: {  	_ =	shalt  }
0x4b: {  	_ =	shalt  }
0x4c: {  	_ =	shalt  }
0x4d: {  	_ =	shalt  }
0x4e: {  	_ =	shalt  }
0x4f: {  	_ =	shalt  }
0x50: {  	_ =	shalt  }
0x51: {  	_ =	shalt  }
0x52: {  	_ =	shalt  }
0x53: {  	_ =	shalt  }
0x54: {  	_ =	shalt  }
0x55: {  	_ =	shalt  }
0x56: {  	_ =	shalt  }
0x57: {  	_ =	shalt  }
0x58: {  	_ =	shalt  }
0x59: {  	_ =	shalt  }
0x5a: {  	_ =	shalt  }
0x5b: {  	_ =	shalt  }
0x5c: {  	_ =	shalt  }
0x5d: {  	_ =	shalt  }
0x5e: {  	_ =	shalt  }
0x5f: {  	_ =	shalt  }
0x60: {  	_ =	shalt  }
0x61: {  	_ =	shalt  }
0x62: {  	_ =	shalt  }
0x63: {  	_ =	shalt  }
0x64: {  	_ =	shalt  }
0x65: {  	_ =	shalt  }
0x66: {  	_ =	shalt  }
0x67: {  	_ =	shalt  }
0x68: {  	_ =	shalt  }
0x69: {  	_ =	shalt  }
0x6a: {  	_ =	shalt  }
0x6b: {  	_ =	shalt  }
0x6c: {  	_ =	shalt  }
0x6d: {  	_ =	shalt  }
0x6e: {  	_ =	shalt  }
0x6f: {  	_ =	shalt  }
0x70: {  	_ =	shalt  }
0x71: {  	_ =	shalt  }
0x72: {  	_ =	shalt  }
0x73: {  	_ =	shalt  }
0x74: {  	_ =	shalt  }
0x75: {  	_ =	shalt  }
0x76: {  	_ =	shalt  }
0x77: {  	_ =	shalt  }
0x78: {  	_ =	shalt  }
0x79: {  	_ =	shalt  }
0x7a: {  	_ =	shalt  }
0x7b: {  	_ =	shalt  }
0x7c: {  	_ =	shalt  }
0x7d: {  	_ =	shalt  }
0x7e: {  	_ =	shalt  }
0x7f: {  	_ =	shalt  }
0x80: {  	_ =	shalt  }
0x81: {  	_ =	shalt  }
0x82: {  	_ =	shalt  }
0x83: {  	_ =	shalt  }
0x84: {  	_ =	shalt  }
0x85: {  	_ =	shalt  }
0x86: {  	_ =	shalt  }
0x87: {  	_ =	shalt  }
.Lfunc_end0:
.L_simem_size_0:
called_computation.2_lowered:
.L_overlay_start_0:
0x88: {  	s2 =	sld [smem:$0x3FD9]  }
0x89: {  	s3 =	sld [smem:$0x3FFE];
	_ =	sdelay $0x1  }
0x8a: {  	s1 =	srdreg.scid  }
0x8b: {  	s0 =	sand.u32 $0x1, s1  }
0x8c: {  	s16 =	sshll.u32 s0, $0xA;
	s2 =	sadd.s32 s3, s2  }
0x8d: {  	s2 =	sadd.s32 s2, s16  }
0x8e: {  	[smem:$0x3FB7] =	sst s2  }
0x8f: {  	_ = 	snop  }
0x90: {  	(tm) =	ssettm $0x1  }
0x91: {  	s17 =	sld [smem:$0x3FFB];
	_ =	sdelay $0x3  }
0x92: {  	_ =	strace s17  }
0x93: {  	s2 =	sld [smem:$0x3FFC];
	_ =	sdelay $0x3  }
0x94: {  	_ =	strace s2  }
0x95: {  	s2 =	sld [smem:$0x3FFD];
	_ =	sdelay $0x3  }
0x96: {  	_ =	strace s2  }
0x97: {  	_ =	strace $0x8FFFFFFF  }
0x98: {  	s18 =	sld [smem:$0x3FDB];
	_ =	sdelay $0x1  }
0x99: {  	s19 =	simm.s32 $_scs_section_size  }
0x9a: {  	s4 =	simm.s32 $_size__tile_overlayer_lowered;
	s5 =	simm.s32 $_tile_overlayer_lowered  }
0x9b: {  	s22 =	simm.s32 $0x1BFF;
	s21 =	sshll.u32 s5, $0x1;
	s2 =	sadd.s32 s19, s18  }
0x9c: {  	s6 =	simm.s32 $0x0;
	s20 =	sshll.u32 s4, $0x1;
	s4 =	sadd.s32 s21, s2  }
0x9d: {  	[timem:s6], [sflag:s22] =	dma.local [hbm:s4], s20  }
0x9e: {  	_ =	swait.ge [sflag:s22], s20  }
0x9f: {  	s3 =	ssub.s32 $0x0, s20;
	[sflag:s22] =	ssyncset.done $0x0  }
0xa0: {  	[sflag:s22] =	ssyncadd.s32 s3;
	_ =	sdelay $0x1  }
0xa1: {  	s23 =	simm.s32 $0x1B8B  }
0xa2: {  	_ =	swait.ge [sflag:s23], $0x1  }
0xa3: {  	[sflag:s23] =	ssyncset.done $0x0  }
0xa4: {  	s25 =	simm.s32 $0x1B8E;
	s24 =	sld [smem:$0x3FFE];
	[sflag:s23] =	ssyncadd.s32 $0xFFFFFFFF  }
0xa5: {  	s26 =	simm.s32 $execute0_lowered;
	[smem:$0x3FD2] =	sst s25  }
0xa6: {  	s4 =	sshll.u32 s26, $0x1;
	_ =	strace $0x8000004C;
	[dreg:$0x1] =	wrdreg $0xFFFFFFFF  }
0xa7: {  	s28 =	simm.s32 $_size_execute0_lowered;
	s2 =	sadd.s32 s2, s4;
	[dreg:$0x0] =	wrdreg $0x0  }
0xa8: {  	s4 =	sshll.u32 s28, $0x1;
	[dreg:$0x2] =	wrdreg s2  }
0xa9: {  	[dreg:$0x3] =	wrdreg s4  }
0xaa: {  	[dreg:$0x4] =	wrdreg $0xC0  }
0xab: {  	_ =	task [dreg:s6], $0x5FFFF  }
0xac: {  	[dreg:$0x1] =	wrdreg $0xFFFFFFFF  }
0xad: {  	[dreg:$0x0] =	wrdreg $0x60  }
0xae: {  	[dreg:$0x2] =	wrdreg s24  }
0xaf: {  	[dreg:$0x3] =	wrdreg $0x90000  }
0xb0: {  	[dreg:$0x4] =	wrdreg $0x9  }
0xb1: {  	_ =	task.clear_ibuf [dreg:s6], $0x5FFFF;
	_ =	strace $0x9000004C  }
0xb2: {  	s29 =	simm.s32 $0x9;
	_ =	strace $0x8000004E  }
0xb3: {  	_ =	swait.ge [sflag:s29], $0x1  }
0xb4: {  	[sflag:s29] =	ssyncadd.s32 $0xFFFFFFFF  }
0xb5: {  	_ =	strace $0x9000004E  }
0xb6: {  	_ =	sfence  }
0xb7: {  	s30 =	sld [smem:$0x0];
	_ =	sdelay $0x2  }
0xb8: {  	s31 =	sshll.u32 s1, $0xD;
	s1 =	sshrl.u32 s1, $0x2  }
0xb9: {  	s3 =	sand.u32 $0x4000, s31;
	s1 =	sadd.s32 s1, s30  }
0xba: {  	s0 =	sor.u32 s3, s0;
	s1 =	sshll.u32 s1, $0x11  }
0xbb: {  	s0 =	sor.u32 s1, s0  }
0xbc: {  	s0 =	sadd.s32 $0x8F2B, s0  }
0xbd: {  	[sflag:s0] =	ssyncadd.remote.s32 $0x1  }
0xbe: {  	_ =	sfence.sel $0xFFFF  }
0xbf: {  	[dreg:$0x0] =	wrdreg $0xFFFFFFFF;
	(pc) =	sbr.abs _section_cstart, $3  }
0xc0: {  	[dreg:$0x1] =	wrdreg $0xFFFFFFFF  }
0xc1: {  	_ =	task.clear_ibuf [dreg:s6], $0x2FFFF;
	_ =	strace $0x9FFFFFFF  }
0xc2: {  	(tm) =	ssettm $0x7FFFFFFF  }
0xc3: {  	_ =	shalt  }
tec
execute0_lowered:
.L_overlay_start_1:
0x0: {  	(tag) =	ssettag $0x1  }
0x1: {  	s7 =	rddreg [dreg:$0x0]  }
0x2: {  	s0 =	srdreg.scid;
	s2 =	rddreg [dreg:$0x1]  }
0x3: {  	s3 =	simm.s32 $0x0;
	s14 =	simm.s32 $0x80;
	s15 =	simm.s32 $0x5000  }
0x4: {  	s16 =	simm.s32 $0x1;
	s6 =	sand.u32 $0x1, s0;
	s0 =	stileid.u32  }
0x5: {  	s17 =	simm.s32 $0x0;
	[smem:$0x7FF] =	sst s3;
	s8 =	smul.u32 $0x140000, s6  }
0x6: {  	s4 =	sadd.s32 $0x1A000, s7;
	s1 =	sshll.u32 s6, $0x4;
	s9 =	smul.u32 $0x14000, s0  }
0x7: {  	s28 =	smul.u32 $0x50000, s0;
	s6 =	ssub.s32 $0x2, s6;
	s1 =	sor.u32 s0, s1  }
0x8: {  	s31 =	sshll.u32 s0, $0x6;
	s29 =	sshrl.u32 s6, $0x1;
	s5 =	smul.u32 $0x500, s1  }
0x9: {  	s1 =	rddreg [dreg:$0x2];
	_ =	strace $0x8000004D;
	s8 =	sadd.s32 s9, s8  }
0xa: {  	s30 =	sshrl.u32 s28, $0x2;
	s12 =	ssub.s32 s6, s29;
	s6 =	sor.u32 $0x1C02, s31  }
0xb: {  	s8 =	sshrl.u32 s8, $0x3;
	s13 =	sadd.s32 s30, s2;
	s10 =	sadd.s32 s5, s7  }
0xc: {  	s5 =	sadd.s32 $0x17800, s7;
	s11 =	sadd.s32 s8, s7;
	s7 =	sadd.s32 $0xD800, s10  }
0xd: {  	s8 =	sadd.s32 $0x3800, s10;
	s9 =	sadd.s32 $0x41200, s11;
	s10 =	smax.u32 s12, $0x1  }
0xe: {  	s11 =	sshrl.u32 s13, $0x3;
	s12 =	simm.s32 $0x2;
	s13 =	simm.s32 $0x2800  }
.LBB2_1:
0xf: {  	[spmem:s11], [sflag:s6] =	dma.local [hbm:s5], $0x2800  }
0x10: {  	_ =	swait.ge [sflag:s12], $0x2800  }
0x11: {  	[sflag:s12] =	ssyncset.done $0x0  }
0x12: {  	[sflag:s12] =	ssyncadd.s32 $0xFFFFD800  }
0x13: {  	[tilespmem:s3], [sflag:$0x2] =	stream.linear.gather [hbm4b:s7+s3], $0x2780, $0x38;
	[tilespmem:$0x1D000] =	vst v63  }
0x14: {  	_ =	swait.ge [sflag:s12], $0x2780  }
0x15: {  	[sflag:s12] =	ssyncset.done $0x0  }
0x16: {  	[sflag:s12] =	ssyncadd.s32 $0xFFFFD880  }
0x17: {  	[tilespmem:s13], [sflag:$0x2] =	stream.linear.gather [hbm4b:s8+s3], $0x2780, $0x38;
	[tilespmem:$0x1D000] =	vst v63  }
0x18: {  	_ =	swait.ge [sflag:s12], $0x2780  }
0x19: {  	[sflag:s12] =	ssyncset.done $0x0  }
0x1a: {  	[sflag:s12] =	ssyncadd.s32 $0xFFFFD880  }
0x1b: {  	s18 =	simm.s32 $0x0;
	[bflag:$0x0] =	sbarrier.arrive $0xFFFF  }
0x1c: {  	[tilespmem:s15], [sflag:$0x1] =	stream.indirect.gather [hbm4b:s4+s14], $0x80, s18, s14, $0xb8;
	[tilespmem:$0x1D000] =	vst v63  }
0x1d: {  	_ =	swait.ge [sflag:s16], $0x4000  }
0x1e: {  	[sflag:s16] =	ssyncset.done $0x0  }
0x1f: {  	s31 =	simm.s32 $0x2800;
	[sflag:s16] =	ssyncadd.s32 $0xFFFFC000  }
0x20: {  	[spmem:s2] =	stream.indirect.scatter.add.f32 [tilespmem:s15], [sflag:$0x2], $0x80, s31, s14, $0xb8;
	[tilespmem:$0x1D000] =	vst v63  }
0x21: {  	_ =	swait.ge [sflag:s12], $0x4000  }
0x22: {  	s19 =	simm.s32 $0x400;
	s18 =	simm.s32 $0x200;
	[sflag:s12] =	ssyncset.done $0x0  }
.LBB2_2:
0x23: {  	s20 =	sshra.s32 s18, $0x2  }
0x24: {  	[sflag:s12] =	ssyncadd.s32 $0xFFFFC000;
	s18 =	smov.u32 s19;
	s21 =	sadd.s32 $0x200, s19  }
0x25: {  	[tilespmem:s15], [sflag:$0x1] =	stream.indirect.gather [hbm4b:s4+s14], $0x80, s20, s14, $0xb8;
	[tilespmem:$0x1D000] =	vst v63  }
0x26: {  	p0 =	sne.s32 s19, $0x9C00;
	_ =	swait.ge [sflag:s16], $0x4000  }
.Ltmp0:
0x27: {  	[sflag:s16] =	ssyncset.done $0x0;
	(pc) =	sbr.rel @p0 .LBB2_2-.Ltmp0, $4  }
0x28: {  	s19 =	sadd.s32 $0x2800, s20;
	[sflag:s16] =	ssyncadd.s32 $0xFFFFC000  }
0x29: {  	[spmem:s2] =	stream.indirect.scatter.add.f32 [tilespmem:s15], [sflag:$0x2], $0x80, s19, s14, $0xb8;
	[tilespmem:$0x1D000] =	vst v63  }
0x2a: {  	_ =	swait.ge [sflag:s12], $0x4000  }
0x2b: {  	s19 =	smov.u32 s21;
	[sflag:s12] =	ssyncset.done $0x0  }
0x2c: {  	s18 =	sshra.s32 s18, $0x2;
	[sflag:s12] =	ssyncadd.s32 $0xFFFFC000  }
0x2d: {  	[tilespmem:s15], [sflag:$0x1] =	stream.indirect.gather [hbm4b:s4+s14], $0x80, s18, s14, $0xb8;
	[tilespmem:$0x1D000] =	vst v63  }
0x2e: {  	_ =	swait.ge [sflag:s16], $0x4000  }
0x2f: {  	[sflag:s16] =	ssyncset.done $0x0  }
0x30: {  	s18 =	sadd.s32 $0x2800, s18;
	[sflag:s16] =	ssyncadd.s32 $0xFFFFC000  }
0x31: {  	[spmem:s2] =	stream.indirect.scatter.add.f32 [tilespmem:s15], [sflag:$0x2], $0x80, s18, s14, $0xb8;
	[tilespmem:$0x1D000] =	vst v63  }
0x32: {  	_ =	swait.ge [sflag:s12], $0x4000  }
0x33: {  	s17 =	sadd.s32 $0x1, s17;
	[sflag:s12] =	ssyncset.done $0x0  }
0x34: {  	p0 =	sne.s32 s17, s10;
	[sflag:s12] =	ssyncadd.s32 $0xFFFFC000  }
.Ltmp1:
0x35: {  	[bflag:$0x0] =	sbarrier.arrive $0xFFFF;
	(pc) =	sbr.rel @p0 .LBB2_1-.Ltmp1, $4  }
0x36: {  	[hbm:s9], [sflag:s6] =	dma.local [spmem:s11], $0x2800  }
0x37: {  	_ =	swait.ge [sflag:s12], $0x2800  }
0x38: {  	[sflag:s12] =	ssyncset.done $0x0  }
0x39: {  	[sflag:s12] =	ssyncadd.s32 $0xFFFFD800  }
0x3a: {  	_ =	sfence.sel $0x180000  }
0x3b: {  	[bflag:$0x0] =	sbarrier.arrive $0xFFFF  }
0x3c: {  	p0 =	sne.s32 s0, $0x0;
	_ =	strace $0x9000004D  }
0x3d: {  	s0 =	sadd.s32 @!p0 $0x100000, s1;
	[bflag:$0x2] =	sbarrier.arrive $0xFFFF  }
0x3e: {  	[sflag:s0] =	ssyncadd.tile.s32 @!p0 $0x1;
	_ =	shalt  }
.Lfunc_end2:
_tile_overlayer_lowered:
.L_overlay_start_2:
0x3f: {  	(tag) =	ssettag $0x2  }
0x40: {  	s0 =	rddreg [dreg:$0x0];
	s2 =	stileid.u32  }
0x41: {  	s1 =	rddreg [dreg:$0x1];
	p0 =	sne.s32 s2, $0x0  }
0x42: {  	s3 =	rddreg [dreg:$0x2];
	[bflag:$0x3] =	sbarrier.arrive $0xFFFF;
	s2 =	simm.s32 @!p0 $0x1C02  }
0x43: {  	[timem:s3], [sflag:s2] =	dma.local @!p0 [hbm:s0], s1  }
0x44: {  	s0 =	simm.s32 @!p0 $0x2  }
0x45: {  	_ =	swait.ge @!p0 [sflag:s0], s1  }
0x46: {  	s1 =	ssub.s32 @!p0 $0x0, s1;
	[sflag:s0] =	ssyncset.done @!p0 $0x0  }
0x47: {  	[sflag:s0] =	ssyncadd.s32 @!p0 s1  }
0x48: {  	[bflag:$0x3] =	sbarrier.arrive $0xFFFF  }
0x49: {  	_ =	shalt  }

// kernel: kernel.8.cloned.1.call-start
scs
__scs_entry_jumppad:
0x0: {  	(pc) =	sbr.rel $0x88, $3  }
0x1: {  	(tag) =	ssettag $0x0;
	lr =	simm.s32 $0x1  }
0x2: {  	[smem:$0x3F90] =	sst lr;
	_ =	strace $0xD0000000  }
0x3: {  	_ = 	snop  }
0x4: {  	_ = 	snop  }
0x5: {  	_ = 	snop  }
0x6: {  	_ = 	snop  }
0x7: {  	_ = 	snop  }
__scs_overlays_trampoline_lowered:
0x8: {  	[smem:$0x3F9F] =	sst s0  }
0x9: {  	[smem:$0x3FA0] =	sst s1  }
0xa: {  	[smem:$0x3FA1] =	sst s2  }
0xb: {  	[smem:$0x3FA2] =	sst s3  }
0xc: {  	[smem:$0x3FA3] =	sst s4  }
0xd: {  	[smem:$0x3FA4] =	sst s5  }
0xe: {  	[smem:$0x3FA5] =	sst s6  }
0xf: {  	[smem:$0x3FA6] =	sst s7  }
0x10: {  	[smem:$0x3FA7] =	sst s8  }
0x11: {  	[smem:$0x3FA8] =	sst s9;
	s0 =	simm.s32 @!p0 $0x0  }
0x12: {  	s1 =	sld [smem:$0x3F8E];
	s0 =	simm.s32 @p0 $0x1  }
0x13: {  	[smem:$0x3FA9] =	sst s0;
	s0 =	simm.s32 @!p1 $0x0  }
0x14: {  	s2 =	sld [smem:$0x3F8D];
	s0 =	simm.s32 @p1 $0x1  }
0x15: {  	[smem:$0x3FAA] =	sst s0;
	s0 =	simm.s32 @!p2 $0x0  }
0x16: {  	s3 =	sld [smem:$0x3FDB];
	s0 =	simm.s32 @p2 $0x1  }
0x17: {  	s4 =	simm.s32 $0x1BF5;
	[smem:$0x3FAC] =	sst s0  }
0x18: {  	s0 =	sld [smem:$0x3F8F];
	_ =	swait.ge [sflag:s4], $0x0  }
0x19: {  	s7 =	sld [smem:$0x3F90]  }
0x1a: {  	s8 =	sadd.s32 $0xFFFFE003, lr  }
0x1b: {  	s9 =	sadd.s32 $0xFFFFFEF7, lr;
	s5 =	simm.s32 $0xFFFFFFFF;
	p2 =	slt.u32 s8, $0xFFFFF086  }
0x1c: {  	p1 =	slt.u32 s9, $0xF7A;
	s5 =	simm.s32 @!p2 $0x0  }
0x1d: {  	s5 =	simm.s32 @p1 $0x1;
	p0 =	seq.s32 s7, s2  }
0x1e: {  	s7 =	smul.u32 @!p0 $0xF7A, s2;
	p2 =	seq.s32 @!p0 s5, $0x0  }
0x1f: {  	s9 =	smul.u32 $0xF7A, s1;
	s8 =	simm.s32 @!p0 $0x1BF5;
	p2 =	por !p2, p0  }
0x20: {  	[sflag:s8] =	ssyncset.s32 @!p0 $0xFFFFF086;
	s6 =	sadd.s32 @!p0 s3, s7;
	s7 =	simm.s32 @!p0 $0x108  }
0x21: {  	s3 =	sadd.s32 s3, s9;
	s6 =	sadd.s32 @!p0 $0x88, s6;
	s7 =	simm.s32 @p2 $0x1082  }
0x22: {  	[simem:s7], [sflag:s8] =	dma.local @!p0 [hbm:s6], $0xF7A  }
0x23: {  	s9 =	sor.u32 $0xD0000000, s2;
	s6 =	simm.s32 $0x108;
	_ =	swait.ge @!p0 [sflag:s8], $0x0  }
0x24: {  	s3 =	sadd.s32 $0x88, s3;
	s6 =	simm.s32 @!p1 $0x1082;
	[sflag:s4] =	ssyncset.s32 $0xFFFFF086  }
0x25: {  	[simem:s6], [sflag:s4] =	dma.local [hbm:s3], $0xF7A  }
0x26: {  	[smem:$0x3F90] =	sst s1;
	(tag) =	ssettag s2;
	_ =	strace s9  }
0x27: {  	s1 =	sld [smem:$0x3FA0]  }
0x28: {  	s2 =	sld [smem:$0x3FA1]  }
0x29: {  	s4 =	sld [smem:$0x3FA3]  }
0x2a: {  	p0 =	seq.s32 s5, $0x0;
	s5 =	sld [smem:$0x3FA4]  }
0x2b: {  	s6 =	sld [smem:$0x3FA5]  }
0x2c: {  	s7 =	sld [smem:$0x3FA6]  }
0x2d: {  	s3 =	simm.s32 $0x108;
	s8 =	sld [smem:$0x3FA7]  }
0x2e: {  	s3 =	simm.s32 @!p0 $0x1082;
	s9 =	sld [smem:$0x3FA8]  }
0x2f: {  	lr =	sadd.s32 s0, s3;
	s0 =	sld [smem:$0x3F9F]  }
0x30: {  	s3 =	sld [smem:$0x3FA2]  }
0x31: {  	[smem:$0x3FAB] =	sst s10  }
0x32: {  	s10 =	sld [smem:$0x3FA9];
	_ =	sdelay $0x3  }
0x33: {  	p0 =	seq.s32 s10, $0x1;
	s10 =	sld [smem:$0x3FAB];
	_ =	sdelay $0x3  }
0x34: {  	[smem:$0x3FAB] =	sst s10  }
0x35: {  	s10 =	sld [smem:$0x3FAA];
	_ =	sdelay $0x3  }
0x36: {  	p1 =	seq.s32 s10, $0x1;
	s10 =	sld [smem:$0x3FAB];
	_ =	sdelay $0x3  }
0x37: {  	[smem:$0x3FAB] =	sst s10  }
0x38: {  	s10 =	sld [smem:$0x3FAC]  }
0x39: {  	_ = 	snop;
	(pc) =	sbr.ind lr, $3  }
0x3a: {  	_ = 	snop  }
0x3b: {  	_ = 	snop  }
0x3c: {  	p2 =	seq.s32 s10, $0x1;
	s10 =	sld [smem:$0x3FAB]  }
0x3d: {  	_ =	shalt  }
0x3e: {  	_ =	shalt  }
0x3f: {  	_ =	shalt  }
0x40: {  	_ =	shalt  }
0x41: {  	_ =	shalt  }
0x42: {  	_ =	shalt  }
0x43: {  	_ =	shalt  }
0x44: {  	_ =	shalt  }
0x45: {  	_ =	shalt  }
0x46: {  	_ =	shalt  }
0x47: {  	_ =	shalt  }
0x48: {  	_ =	shalt  }
0x49: {  	_ =	shalt  }
0x4a: {  	_ =	shalt  }
0x4b: {  	_ =	shalt  }
0x4c: {  	_ =	shalt  }
0x4d: {  	_ =	shalt  }
0x4e: {  	_ =	shalt  }
0x4f: {  	_ =	shalt  }
0x50: {  	_ =	shalt  }
0x51: {  	_ =	shalt  }
0x52: {  	_ =	shalt  }
0x53: {  	_ =	shalt  }
0x54: {  	_ =	shalt  }
0x55: {  	_ =	shalt  }
0x56: {  	_ =	shalt  }
0x57: {  	_ =	shalt  }
0x58: {  	_ =	shalt  }
0x59: {  	_ =	shalt  }
0x5a: {  	_ =	shalt  }
0x5b: {  	_ =	shalt  }
0x5c: {  	_ =	shalt  }
0x5d: {  	_ =	shalt  }
0x5e: {  	_ =	shalt  }
0x5f: {  	_ =	shalt  }
0x60: {  	_ =	shalt  }
0x61: {  	_ =	shalt  }
0x62: {  	_ =	shalt  }
0x63: {  	_ =	shalt  }
0x64: {  	_ =	shalt  }
0x65: {  	_ =	shalt  }
0x66: {  	_ =	shalt  }
0x67: {  	_ =	shalt  }
0x68: {  	_ =	shalt  }
0x69: {  	_ =	shalt  }
0x6a: {  	_ =	shalt  }
0x6b: {  	_ =	shalt  }
0x6c: {  	_ =	shalt  }
0x6d: {  	_ =	shalt  }
0x6e: {  	_ =	shalt  }
0x6f: {  	_ =	shalt  }
0x70: {  	_ =	shalt  }
0x71: {  	_ =	shalt  }
0x72: {  	_ =	shalt  }
0x73: {  	_ =	shalt  }
0x74: {  	_ =	shalt  }
0x75: {  	_ =	shalt  }
0x76: {  	_ =	shalt  }
0x77: {  	_ =	shalt  }
0x78: {  	_ =	shalt  }
0x79: {  	_ =	shalt  }
0x7a: {  	_ =	shalt  }
0x7b: {  	_ =	shalt  }
0x7c: {  	_ =	shalt  }
0x7d: {  	_ =	shalt  }
0x7e: {  	_ =	shalt  }
0x7f: {  	_ =	shalt  }
0x80: {  	_ =	shalt  }
0x81: {  	_ =	shalt  }
0x82: {  	_ =	shalt  }
0x83: {  	_ =	shalt  }
0x84: {  	_ =	shalt  }
0x85: {  	_ =	shalt  }
0x86: {  	_ =	shalt  }
0x87: {  	_ =	shalt  }
.Lfunc_end0:
.L_simem_size_0:
called_computation_lowered:
.L_overlay_start_0:
0x88: {  	s2 =	sld [smem:$0x3FD9]  }
0x89: {  	s3 =	sld [smem:$0x3FFE];
	_ =	sdelay $0x1  }
0x8a: {  	s1 =	srdreg.scid  }
0x8b: {  	s0 =	sand.u32 $0x1, s1  }
0x8c: {  	s17 =	sshll.u32 s0, $0xA;
	s2 =	sadd.s32 s3, s2  }
0x8d: {  	s2 =	sadd.s32 s2, s17  }
0x8e: {  	[smem:$0x3FB7] =	sst s2  }
0x8f: {  	_ = 	snop  }
0x90: {  	s2 =	sld [smem:$0x3FC9];
	(tm) =	ssettm $0x1  }
0x91: {  	s18 =	sld [smem:$0x3FFB];
	_ =	sdelay $0x3  }
0x92: {  	_ =	strace s18  }
0x93: {  	s3 =	sld [smem:$0x3FFC];
	_ =	sdelay $0x3  }
0x94: {  	_ =	strace s3  }
0x95: {  	s3 =	sld [smem:$0x3FFD];
	_ =	sdelay $0x3  }
0x96: {  	_ =	strace s3  }
0x97: {  	_ =	strace $0x8FFFFFFF  }
0x98: {  	s19 =	sld [smem:$0x3FDB];
	_ =	sdelay $0x1  }
0x99: {  	s4 =	simm.s32 $_scs_section_size  }
0x9a: {  	s5 =	simm.s32 $_size__tile_overlayer_lowered;
	s6 =	simm.s32 $_tile_overlayer_lowered  }
0x9b: {  	s22 =	simm.s32 $0x1BFF;
	s21 =	sshll.u32 s6, $0x1;
	s3 =	sadd.s32 s4, s19  }
0x9c: {  	s7 =	simm.s32 $0x0;
	s20 =	sshll.u32 s5, $0x1;
	s5 =	sadd.s32 s21, s3  }
0x9d: {  	[timem:s7], [sflag:s22] =	dma.local [hbm:s5], s20  }
0x9e: {  	_ =	swait.ge [sflag:s22], s20  }
0x9f: {  	s4 =	ssub.s32 $0x0, s20;
	[sflag:s22] =	ssyncset.done $0x0  }
0xa0: {  	[sflag:s22] =	ssyncadd.s32 s4;
	_ =	sdelay $0x1  }
0xa1: {  	s23 =	simm.s32 $0x1B8B  }
0xa2: {  	_ =	swait.ge [sflag:s23], $0x1  }
0xa3: {  	[sflag:s23] =	ssyncset.done $0x0  }
0xa4: {  	s25 =	simm.s32 $0x1B8E;
	s24 =	sld [smem:$0x3FFE];
	[sflag:s23] =	ssyncadd.s32 $0xFFFFFFFF  }
0xa5: {  	s26 =	simm.s32 $execute0_lowered;
	[smem:$0x3FD2] =	sst s25  }
0xa6: {  	s5 =	sshll.u32 s26, $0x1;
	_ =	strace $0x80000046;
	[dreg:$0x1] =	wrdreg $0xFFFFFFFF  }
0xa7: {  	s28 =	simm.s32 $_size_execute0_lowered;
	s3 =	sadd.s32 s3, s5;
	[dreg:$0x0] =	wrdreg $0x0  }
0xa8: {  	s5 =	sshll.u32 s28, $0x1;
	[dreg:$0x2] =	wrdreg s3  }
0xa9: {  	[dreg:$0x3] =	wrdreg s5  }
0xaa: {  	[dreg:$0x4] =	wrdreg $0xC0  }
0xab: {  	_ =	task [dreg:s7], $0x5FFFF  }
0xac: {  	[dreg:$0x1] =	wrdreg $0xFFFFFFFF  }
0xad: {  	[dreg:$0x0] =	wrdreg $0x60  }
0xae: {  	[dreg:$0x2] =	wrdreg s2  }
0xaf: {  	[dreg:$0x3] =	wrdreg s24  }
0xb0: {  	[dreg:$0x4] =	wrdreg $0x90000  }
0xb1: {  	[dreg:$0x5] =	wrdreg $0x9  }
0xb2: {  	_ =	task.clear_ibuf [dreg:s7], $0x6FFFF;
	_ =	strace $0x90000046  }
0xb3: {  	s29 =	simm.s32 $0x9;
	_ =	strace $0x80000048  }
0xb4: {  	_ =	swait.ge [sflag:s29], $0x1  }
0xb5: {  	[sflag:s29] =	ssyncadd.s32 $0xFFFFFFFF  }
0xb6: {  	_ =	strace $0x90000048  }
0xb7: {  	_ =	sfence  }
0xb8: {  	s30 =	sld [smem:$0x0];
	_ =	sdelay $0x2  }
0xb9: {  	s31 =	sshll.u32 s1, $0xD;
	s1 =	sshrl.u32 s1, $0x2  }
0xba: {  	s3 =	sand.u32 $0x4000, s31;
	s1 =	sadd.s32 s1, s30  }
0xbb: {  	s0 =	sor.u32 s3, s0;
	s1 =	sshll.u32 s1, $0x11  }
0xbc: {  	s0 =	sor.u32 s1, s0  }
0xbd: {  	s0 =	sadd.s32 $0x8F2B, s0  }
0xbe: {  	[sflag:s0] =	ssyncadd.remote.s32 $0x1  }
0xbf: {  	_ =	sfence.sel $0xFFFF  }
0xc0: {  	[dreg:$0x0] =	wrdreg $0xFFFFFFFF;
	(pc) =	sbr.abs _section_cstart, $3  }
0xc1: {  	[dreg:$0x1] =	wrdreg $0xFFFFFFFF  }
0xc2: {  	_ =	task.clear_ibuf [dreg:s7], $0x2FFFF;
	_ =	strace $0x9FFFFFFF  }
0xc3: {  	(tm) =	ssettm $0x7FFFFFFF  }
tec
execute0_lowered:
.L_overlay_start_1:
0x0: {  	(tag) =	ssettag $0x1  }
0x1: {  	s1 =	rddreg [dreg:$0x0]  }
0x2: {  	s0 =	srdreg.scid;
	s7 =	rddreg [dreg:$0x1]  }
0x3: {  	s3 =	rddreg [dreg:$0x2];
	s4 =	simm.s32 $0x0;
	s14 =	simm.s32 $0x80  }
0x4: {  	s15 =	simm.s32 $0x5000;
	s16 =	simm.s32 $0x1;
	s6 =	sand.u32 $0x1, s0  }
0x5: {  	s17 =	simm.s32 $0x0;
	s0 =	stileid.u32;
	s8 =	smul.u32 $0x140000, s6  }
0x6: {  	[smem:$0x7FF] =	sst s4;
	s2 =	sshll.u32 s6, $0x4;
	s9 =	smul.u32 $0x14000, s0  }
0x7: {  	s28 =	smul.u32 $0x50000, s0;
	s6 =	ssub.s32 $0x2, s6;
	s2 =	sor.u32 s0, s2  }
0x8: {  	s31 =	sshll.u32 s0, $0x6;
	s29 =	sshrl.u32 s6, $0x1;
	s5 =	smul.u32 $0x500, s2  }
0x9: {  	s2 =	rddreg [dreg:$0x3];
	_ =	strace $0x80000047;
	s8 =	sadd.s32 s9, s8  }
0xa: {  	s30 =	sshrl.u32 s28, $0x2;
	s12 =	ssub.s32 s6, s29;
	s6 =	sor.u32 $0x1C02, s31  }
0xb: {  	s8 =	sshrl.u32 s8, $0x3;
	s13 =	sadd.s32 s30, s3;
	s10 =	sadd.s32 s5, s7  }
0xc: {  	s5 =	sadd.s32 $0x17800, s7;
	s11 =	sadd.s32 s8, s7;
	s7 =	sadd.s32 $0xD800, s10  }
0xd: {  	s8 =	sadd.s32 $0x3800, s10;
	s9 =	sadd.s32 $0x1A000, s11;
	s10 =	smax.u32 s12, $0x1  }
0xe: {  	s11 =	sshrl.u32 s13, $0x3;
	s12 =	simm.s32 $0x2;
	s13 =	simm.s32 $0x2800  }
.LBB2_1:
0xf: {  	[spmem:s11], [sflag:s6] =	dma.local [hbm:s5], $0x2800  }
0x10: {  	_ =	swait.ge [sflag:s12], $0x2800  }
0x11: {  	[sflag:s12] =	ssyncset.done $0x0  }
0x12: {  	[sflag:s12] =	ssyncadd.s32 $0xFFFFD800  }
0x13: {  	[tilespmem:s4], [sflag:$0x2] =	stream.linear.gather [hbm4b:s7+s4], $0x2780, $0x38;
	[tilespmem:$0x1D000] =	vst v63  }
0x14: {  	_ =	swait.ge [sflag:s12], $0x2780  }
0x15: {  	[sflag:s12] =	ssyncset.done $0x0  }
0x16: {  	[sflag:s12] =	ssyncadd.s32 $0xFFFFD880  }
0x17: {  	[tilespmem:s13], [sflag:$0x2] =	stream.linear.gather [hbm4b:s8+s4], $0x2780, $0x38;
	[tilespmem:$0x1D000] =	vst v63  }
0x18: {  	_ =	swait.ge [sflag:s12], $0x2780  }
0x19: {  	[sflag:s12] =	ssyncset.done $0x0  }
0x1a: {  	[sflag:s12] =	ssyncadd.s32 $0xFFFFD880  }
0x1b: {  	s18 =	simm.s32 $0x0;
	[bflag:$0x0] =	sbarrier.arrive $0xFFFF  }
0x1c: {  	[tilespmem:s15], [sflag:$0x1] =	stream.indirect.gather [hbm4b:s1+s14], $0x80, s18, s14, $0xb8;
	[tilespmem:$0x1D000] =	vst v63  }
0x1d: {  	_ =	swait.ge [sflag:s16], $0x4000  }
0x1e: {  	[sflag:s16] =	ssyncset.done $0x0  }
0x1f: {  	s31 =	simm.s32 $0x2800;
	[sflag:s16] =	ssyncadd.s32 $0xFFFFC000  }
0x20: {  	[spmem:s3] =	stream.indirect.scatter.add.f32 [tilespmem:s15], [sflag:$0x2], $0x80, s31, s14, $0xb8;
	[tilespmem:$0x1D000] =	vst v63  }
0x21: {  	_ =	swait.ge [sflag:s12], $0x4000  }
0x22: {  	s19 =	simm.s32 $0x400;
	s18 =	simm.s32 $0x200;
	[sflag:s12] =	ssyncset.done $0x0  }
.LBB2_2:
0x23: {  	s20 =	sshra.s32 s18, $0x2  }
0x24: {  	[sflag:s12] =	ssyncadd.s32 $0xFFFFC000;
	s18 =	smov.u32 s19;
	s21 =	sadd.s32 $0x200, s19  }
0x25: {  	[tilespmem:s15], [sflag:$0x1] =	stream.indirect.gather [hbm4b:s1+s14], $0x80, s20, s14, $0xb8;
	[tilespmem:$0x1D000] =	vst v63  }
0x26: {  	p0 =	sne.s32 s19, $0x9C00;
	_ =	swait.ge [sflag:s16], $0x4000  }
.Ltmp0:
0x27: {  	[sflag:s16] =	ssyncset.done $0x0;
	(pc) =	sbr.rel @p0 .LBB2_2-.Ltmp0, $4  }
0x28: {  	s19 =	sadd.s32 $0x2800, s20;
	[sflag:s16] =	ssyncadd.s32 $0xFFFFC000  }
0x29: {  	[spmem:s3] =	stream.indirect.scatter.add.f32 [tilespmem:s15], [sflag:$0x2], $0x80, s19, s14, $0xb8;
	[tilespmem:$0x1D000] =	vst v63  }
0x2a: {  	_ =	swait.ge [sflag:s12], $0x4000  }
0x2b: {  	s19 =	smov.u32 s21;
	[sflag:s12] =	ssyncset.done $0x0  }
0x2c: {  	s18 =	sshra.s32 s18, $0x2;
	[sflag:s12] =	ssyncadd.s32 $0xFFFFC000  }
0x2d: {  	[tilespmem:s15], [sflag:$0x1] =	stream.indirect.gather [hbm4b:s1+s14], $0x80, s18, s14, $0xb8;
	[tilespmem:$0x1D000] =	vst v63  }
0x2e: {  	_ =	swait.ge [sflag:s16], $0x4000  }
0x2f: {  	[sflag:s16] =	ssyncset.done $0x0  }
0x30: {  	s18 =	sadd.s32 $0x2800, s18;
	[sflag:s16] =	ssyncadd.s32 $0xFFFFC000  }
0x31: {  	[spmem:s3] =	stream.indirect.scatter.add.f32 [tilespmem:s15], [sflag:$0x2], $0x80, s18, s14, $0xb8;
	[tilespmem:$0x1D000] =	vst v63  }
0x32: {  	_ =	swait.ge [sflag:s12], $0x4000  }
0x33: {  	s17 =	sadd.s32 $0x1, s17;
	[sflag:s12] =	ssyncset.done $0x0  }
0x34: {  	p0 =	sne.s32 s17, s10;
	[sflag:s12] =	ssyncadd.s32 $0xFFFFC000  }
.Ltmp1:
0x35: {  	[bflag:$0x0] =	sbarrier.arrive $0xFFFF;
	(pc) =	sbr.rel @p0 .LBB2_1-.Ltmp1, $4  }
0x36: {  	[hbm:s9], [sflag:s6] =	dma.local [spmem:s11], $0x2800  }
0x37: {  	_ =	swait.ge [sflag:s12], $0x2800  }
0x38: {  	[sflag:s12] =	ssyncset.done $0x0  }
0x39: {  	[sflag:s12] =	ssyncadd.s32 $0xFFFFD800  }
0x3a: {  	_ =	sfence.sel $0x180000  }
0x3b: {  	[bflag:$0x0] =	sbarrier.arrive $0xFFFF  }
0x3c: {  	p0 =	sne.s32 s0, $0x0;
	_ =	strace $0x90000047  }
0x3d: {  	s0 =	sadd.s32 @!p0 $0x100000, s2;
	[bflag:$0x2] =	sbarrier.arrive $0xFFFF  }
0x3e: {  	[sflag:s0] =	ssyncadd.tile.s32 @!p0 $0x1;
	_ =	shalt  }
.Lfunc_end2:
_tile_overlayer_lowered:
.L_overlay_start_2:
0x3f: {  	(tag) =	ssettag $0x2  }
0x40: {  	s0 =	rddreg [dreg:$0x0];
	s2 =	stileid.u32  }
0x41: {  	s1 =	rddreg [dreg:$0x1];
	p0 =	sne.s32 s2, $0x0  }
0x42: {  	s3 =	rddreg [dreg:$0x2];
	[bflag:$0x3] =	sbarrier.arrive $0xFFFF;
	s2 =	simm.s32 @!p0 $0x1C02  }
0x43: {  	[timem:s3], [sflag:s2] =	dma.local @!p0 [hbm:s0], s1  }
0x44: {  	s0 =	simm.s32 @!p0 $0x2  }
0x45: {  	_ =	swait.ge @!p0 [sflag:s0], s1  }
0x46: {  	s1 =	ssub.s32 @!p0 $0x0, s1;
	[sflag:s0] =	ssyncset.done @!p0 $0x0  }
0x47: {  	[sflag:s0] =	ssyncadd.s32 @!p0 s1  }
0x48: {  	[bflag:$0x3] =	sbarrier.arrive $0xFFFF  }
0x49: {  	_ =	shalt  }

</sc_bundles>
